<compile_context>
chip_gen: v7x
topology: tpu7x:2x2x1
jax: 0.10.2.dev20260603
libtpu: 0.0.44.dev20260713+nightly
codegen_flags: <defaults>
</compile_context>

<pallas_src>
import functools

import jax
import jax.numpy as jnp
from jax import lax
from jax.experimental import pallas as pl
from jax.experimental.pallas import tpu as pltpu
from jax.experimental.pallas import tpu_sc as plsc

NUM_SEG = 1024
D = 128
N_ROWS = 320000
NC = 2
NS = 16
NW = NC * NS
RPW = 7800
SC_ROWS = NW * RPW
TC_ROWS = N_ROWS - SC_ROWS
TC_BLK = 640
TC_NBLK = TC_ROWS // TC_BLK
CHUNK = 120
NCHUNK = RPW // CHUNK
SEG_PER_TILE = NUM_SEG // NS
NBUF = 5
LAG = 2


def _sc_partials(data, ids):
    mesh = plsc.VectorSubcoreMesh(core_axis_name="c", subcore_axis_name="s")

    @functools.partial(
        pl.kernel,
        out_type=jax.ShapeDtypeStruct((NC, NUM_SEG, D), jnp.float32),
        mesh=mesh,
        scratch_types=[
            pltpu.VMEM((NBUF, CHUNK, D), jnp.float32),
            pltpu.VMEM((NCHUNK, CHUNK), jnp.int32),
            pltpu.VMEM((SEG_PER_TILE, D), jnp.float32),
            pltpu.VMEM_SHARED((NUM_SEG, D), jnp.float32),
            [pltpu.SemaphoreType.DMA] * NBUF,
            [pltpu.SemaphoreType.DMA] * NBUF,
        ],
    )
    def body(data_hbm, ids_hbm, out_hbm, rowbuf, idsbuf, zbuf, acc,
             gsems, ssems):
        cid = lax.axis_index("c")
        sid = lax.axis_index("s")
        wid = cid * NS + sid
        base_row = wid * RPW

        def gather(ch, b):
            return pltpu.make_async_copy(
                data_hbm.at[pl.ds(base_row + ch * CHUNK, CHUNK)],
                rowbuf.at[b],
                gsems[b],
            )

        def scatter(ch, b):
            return pltpu.make_async_copy(
                rowbuf.at[b], acc.at[idsbuf.at[ch]], ssems[b])

        for b in range(NBUF):
            gather(b, b).start()
        pltpu.sync_copy(ids_hbm.at[wid], idsbuf)

        zero = jnp.zeros((16,), jnp.float32)

        def zero_body(i, carry):
            for j in range(D // 16):
                zbuf[i, pl.ds(j * 16, 16)] = zero
            return carry

        lax.fori_loop(0, SEG_PER_TILE, zero_body, 0)
        pltpu.sync_copy(zbuf, acc.at[pl.ds(sid * SEG_PER_TILE, SEG_PER_TILE)])
        plsc.subcore_barrier()

        def group_step(g, carry):
            for b in range(NBUF):
                ch = g * NBUF + b
                gather(ch, b).wait()
                scatter(ch, b).start(add=True)
                bo = (b - LAG) % NBUF
                cho = ch - LAG

                @pl.when(cho >= 0)
                def _():
                    scatter(cho, bo).wait()

                    @pl.when(cho + NBUF < NCHUNK)
                    def _():
                        gather(cho + NBUF, bo).start()

            return carry

        lax.fori_loop(0, NCHUNK // NBUF, group_step, 0)
        for t in range(LAG):
            ch = NCHUNK - LAG + t
            scatter(ch, ch % NBUF).wait()
        plsc.subcore_barrier()

        pltpu.sync_copy(
            acc.at[pl.ds(sid * SEG_PER_TILE, SEG_PER_TILE)],
            out_hbm.at[cid].at[pl.ds(sid * SEG_PER_TILE, SEG_PER_TILE)],
        )

    return body(data, ids)


def _tc_body(ids_ref, data_ref, o_ref):
    seg = lax.broadcasted_iota(jnp.int32, (NUM_SEG, TC_BLK), 0)
    onehot = jnp.where(seg == ids_ref[0], 1.0, 0.0).astype(jnp.float32)
    part = jnp.dot(onehot, data_ref[...],
                   preferred_element_type=jnp.float32)

    @pl.when(pl.program_id(0) == 0)
    def _():
        o_ref[...] = jnp.zeros_like(o_ref)

    o_ref[...] += part


_TC_OFF = SC_ROWS // TC_BLK

_tc_partial = pl.pallas_call(
    _tc_body,
    grid=(TC_NBLK,),
    in_specs=[
        pl.BlockSpec((1, 1, TC_BLK), lambda i: (i + _TC_OFF, 0, 0)),
        pl.BlockSpec((TC_BLK, D), lambda i: (i + _TC_OFF, 0)),
    ],
    out_specs=pl.BlockSpec((NUM_SEG, D), lambda i: (0, 0)),
    out_shape=jax.ShapeDtypeStruct((NUM_SEG, D), jnp.float32),
)


def _combine_body(p_ref, t_ref, o_ref):
    o_ref[...] = p_ref[0] + p_ref[1] + t_ref[...]


_combine = pl.pallas_call(
    _combine_body,
    out_shape=jax.ShapeDtypeStruct((NUM_SEG, D), jnp.float32),
)


def kernel(data, segment_ids):
    ids32 = segment_ids.astype(jnp.int32)
    sc_ids = ids32[:SC_ROWS].reshape(NW, NCHUNK, CHUNK)
    tc_ids = ids32.reshape(N_ROWS // TC_BLK, 1, TC_BLK)
    partials = _sc_partials(data, sc_ids)
    tc_part = _tc_partial(tc_ids, data)
    return _combine(partials, tc_part)

# --- scband reference (transcript-rebuilt; emitter-appended) ---
"""Pipeline reference for scband-dynamic-heat-pool-layer-1228360646894 (READ-ONLY COPY).

The authoritative reference and input builder live on the scoring server;
editing this copy changes nothing except your own understanding.
"""

import jax, jax.numpy as jnp
import numpy as np

NUM_SEGMENTS = 1024

def setup_inputs(seed: int = 0) -> dict:
    key = jax.random.key(seed)
    k1, k2 = jax.random.split(key)
    data = jax.random.normal(k1, (320000, 128), dtype=jnp.float32)
    segment_ids = jnp.sort(jax.random.randint(k2, (320000,), 0, NUM_SEGMENTS, dtype=jnp.int64))
    return {"data": data, "segment_ids": segment_ids}

def reference(data, segment_ids):
    # tfgnn.pool_nodes_to_context(..., reduce_type='sum', feature_name='power')
    # == segment-sum of per-node 'power' features over graph components,
    # followed by tf.cast(..., tf.float32).
    total_power = jax.ops.segment_sum(data, segment_ids, num_segments=NUM_SEGMENTS)
    return total_power.astype(jnp.float32)

if __name__ == "__main__":
    import jax
    _d = setup_inputs()
    print(jax.jit(kernel)(*tuple(_d.values())))

</pallas_src>

<mosaic_0001>
#map = affine_map<(d0, d1) -> (0, 0)>
#map1 = affine_map<(d0, d1) -> (0, 0, 0)>
module attributes {stable_mosaic.version = 14 : i64} {
  func.func @body(%arg0: i32, %arg1: i32, %arg2: memref<320000x128xf32, #tpu.memory_space<hbm>>, %arg3: memref<32x65x120xi32, #tpu.memory_space<hbm>>, %arg4: memref<2x1024x128xf32, #tpu.memory_space<hbm>>, %arg5: memref<5x120x128xf32, #tpu.memory_space<vmem>>, %arg6: memref<65x120xi32, #tpu.memory_space<vmem>>, %arg7: memref<64x128xf32, #tpu.memory_space<vmem>>, %arg8: memref<1024x128xf32, #tpu.memory_space<vmem_shared>>, %arg9: memref<!tpu.dma_semaphore, #tpu.memory_space<semaphore_mem>>, %arg10: memref<!tpu.dma_semaphore, #tpu.memory_space<semaphore_mem>>, %arg11: memref<!tpu.dma_semaphore, #tpu.memory_space<semaphore_mem>>, %arg12: memref<!tpu.dma_semaphore, #tpu.memory_space<semaphore_mem>>, %arg13: memref<!tpu.dma_semaphore, #tpu.memory_space<semaphore_mem>>, %arg14: memref<!tpu.dma_semaphore, #tpu.memory_space<semaphore_mem>>, %arg15: memref<!tpu.dma_semaphore, #tpu.memory_space<semaphore_mem>>, %arg16: memref<!tpu.dma_semaphore, #tpu.memory_space<semaphore_mem>>, %arg17: memref<!tpu.dma_semaphore, #tpu.memory_space<semaphore_mem>>, %arg18: memref<!tpu.dma_semaphore, #tpu.memory_space<semaphore_mem>>) attributes {dimension_semantics = [#tpu.dimension_semantics<core_parallel>, #tpu.dimension_semantics<subcore_parallel>], iteration_bounds = array<i64: 2, 16>, scalar_prefetch = 0 : i64, scratch_operands = 14 : i64, tpu.core_type = #tpu.core_type<sc_vector_subcore>, window_params = [{transform_indices = #map}, {transform_indices = #map1}, {transform_indices = #map1}]} {
    %mul3A = arith.constant 16 : i32
    %mul3A_0 = arith.muli %arg0, %mul3A : i32
    %add3A = arith.addi %mul3A_0, %arg1 : i32
    %mul3A_1 = arith.constant 7800 : i32
    %mul3A_2 = arith.muli %add3A, %mul3A_1 : i32
    %add3A_3 = arith.constant 0 : i32
    %add3A_4 = arith.addi %mul3A_2, %add3A_3 : i32
    %dma_start3A = arith.constant 0 : i32
    %dma_start3A_5 = arith.constant 0 : i32
    %dma_start3A_6 = arith.constant 0 : i32
    %dma_start3A_7 = tpu.memref_slice %arg5[%dma_start3A, %dma_start3A_5, %dma_start3A_6] : memref<5x120x128xf32, #tpu.memory_space<vmem>> -> memref<1x120x128xf32, #tpu.memory_space<vmem>>
    %dma_start3A_8 = tpu.memref_squeeze %dma_start3A_7 : memref<1x120x128xf32, #tpu.memory_space<vmem>> -> memref<120x128xf32, #tpu.memory_space<vmem>>
    %dma_start3A_9 = arith.constant 0 : i32
    %dma_start3A_10 = tpu.memref_slice %arg2[%add3A_4, %dma_start3A_9] : memref<320000x128xf32, #tpu.memory_space<hbm>> -> memref<120x128xf32, #tpu.memory_space<hbm>>
    %dma_start3A_11 = arith.constant 0 : i32
    %dma_start3A_12 = arith.constant 0 : i32
    %dma_start3A_13 = tpu.memref_slice %arg5[%dma_start3A, %dma_start3A_11, %dma_start3A_12] : memref<5x120x128xf32, #tpu.memory_space<vmem>> -> memref<1x120x128xf32, #tpu.memory_space<vmem>>
    %dma_start3A_14 = tpu.memref_squeeze %dma_start3A_13 : memref<1x120x128xf32, #tpu.memory_space<vmem>> -> memref<120x128xf32, #tpu.memory_space<vmem>>
    %dma_start3A_15 = arith.constant 0 : i32
    %dma_start3A_16 = tpu.memref_slice %arg2[%add3A_4, %dma_start3A_15] : memref<320000x128xf32, #tpu.memory_space<hbm>> -> memref<120x128xf32, #tpu.memory_space<hbm>>
    tpu.enqueue_dma source(%dma_start3A_16 : memref<120x128xf32, #tpu.memory_space<hbm>>) target(%dma_start3A_14 : memref<120x128xf32, #tpu.memory_space<vmem>>) target_semaphore(%arg9 : memref<!tpu.dma_semaphore, #tpu.memory_space<semaphore_mem>>)
    %add3A_17 = arith.constant 120 : i32
    %add3A_18 = arith.addi %mul3A_2, %add3A_17 : i32
    %dma_start3A_19 = arith.constant 1 : i32
    %dma_start3A_20 = arith.constant 0 : i32
    %dma_start3A_21 = arith.constant 0 : i32
    %dma_start3A_22 = tpu.memref_slice %arg5[%dma_start3A_19, %dma_start3A_20, %dma_start3A_21] : memref<5x120x128xf32, #tpu.memory_space<vmem>> -> memref<1x120x128xf32, #tpu.memory_space<vmem>>
    %dma_start3A_23 = tpu.memref_squeeze %dma_start3A_22 : memref<1x120x128xf32, #tpu.memory_space<vmem>> -> memref<120x128xf32, #tpu.memory_space<vmem>>
    %dma_start3A_24 = arith.constant 0 : i32
    %dma_start3A_25 = tpu.memref_slice %arg2[%add3A_18, %dma_start3A_24] : memref<320000x128xf32, #tpu.memory_space<hbm>> -> memref<120x128xf32, #tpu.memory_space<hbm>>
    %dma_start3A_26 = arith.constant 0 : i32
    %dma_start3A_27 = arith.constant 0 : i32
    %dma_start3A_28 = tpu.memref_slice %arg5[%dma_start3A_19, %dma_start3A_26, %dma_start3A_27] : memref<5x120x128xf32, #tpu.memory_space<vmem>> -> memref<1x120x128xf32, #tpu.memory_space<vmem>>
    %dma_start3A_29 = tpu.memref_squeeze %dma_start3A_28 : memref<1x120x128xf32, #tpu.memory_space<vmem>> -> memref<120x128xf32, #tpu.memory_space<vmem>>
    %dma_start3A_30 = arith.constant 0 : i32
    %dma_start3A_31 = tpu.memref_slice %arg2[%add3A_18, %dma_start3A_30] : memref<320000x128xf32, #tpu.memory_space<hbm>> -> memref<120x128xf32, #tpu.memory_space<hbm>>
    tpu.enqueue_dma source(%dma_start3A_31 : memref<120x128xf32, #tpu.memory_space<hbm>>) target(%dma_start3A_29 : memref<120x128xf32, #tpu.memory_space<vmem>>) target_semaphore(%arg10 : memref<!tpu.dma_semaphore, #tpu.memory_space<semaphore_mem>>)
    %add3A_32 = arith.constant 240 : i32
    %add3A_33 = arith.addi %mul3A_2, %add3A_32 : i32
    %dma_start3A_34 = arith.constant 2 : i32
    %dma_start3A_35 = arith.constant 0 : i32
    %dma_start3A_36 = arith.constant 0 : i32
    %dma_start3A_37 = tpu.memref_slice %arg5[%dma_start3A_34, %dma_start3A_35, %dma_start3A_36] : memref<5x120x128xf32, #tpu.memory_space<vmem>> -> memref<1x120x128xf32, #tpu.memory_space<vmem>>
    %dma_start3A_38 = tpu.memref_squeeze %dma_start3A_37 : memref<1x120x128xf32, #tpu.memory_space<vmem>> -> memref<120x128xf32, #tpu.memory_space<vmem>>
    %dma_start3A_39 = arith.constant 0 : i32
    %dma_start3A_40 = tpu.memref_slice %arg2[%add3A_33, %dma_start3A_39] : memref<320000x128xf32, #tpu.memory_space<hbm>> -> memref<120x128xf32, #tpu.memory_space<hbm>>
    %dma_start3A_41 = arith.constant 0 : i32
    %dma_start3A_42 = arith.constant 0 : i32
    %dma_start3A_43 = tpu.memref_slice %arg5[%dma_start3A_34, %dma_start3A_41, %dma_start3A_42] : memref<5x120x128xf32, #tpu.memory_space<vmem>> -> memref<1x120x128xf32, #tpu.memory_space<vmem>>
    %dma_start3A_44 = tpu.memref_squeeze %dma_start3A_43 : memref<1x120x128xf32, #tpu.memory_space<vmem>> -> memref<120x128xf32, #tpu.memory_space<vmem>>
    %dma_start3A_45 = arith.constant 0 : i32
    %dma_start3A_46 = tpu.memref_slice %arg2[%add3A_33, %dma_start3A_45] : memref<320000x128xf32, #tpu.memory_space<hbm>> -> memref<120x128xf32, #tpu.memory_space<hbm>>
    tpu.enqueue_dma source(%dma_start3A_46 : memref<120x128xf32, #tpu.memory_space<hbm>>) target(%dma_start3A_44 : memref<120x128xf32, #tpu.memory_space<vmem>>) target_semaphore(%arg11 : memref<!tpu.dma_semaphore, #tpu.memory_space<semaphore_mem>>)
    %add3A_47 = arith.constant 360 : i32
    %add3A_48 = arith.addi %mul3A_2, %add3A_47 : i32
    %dma_start3A_49 = arith.constant 3 : i32
    %dma_start3A_50 = arith.constant 0 : i32
    %dma_start3A_51 = arith.constant 0 : i32
    %dma_start3A_52 = tpu.memref_slice %arg5[%dma_start3A_49, %dma_start3A_50, %dma_start3A_51] : memref<5x120x128xf32, #tpu.memory_space<vmem>> -> memref<1x120x128xf32, #tpu.memory_space<vmem>>
    %dma_start3A_53 = tpu.memref_squeeze %dma_start3A_52 : memref<1x120x128xf32, #tpu.memory_space<vmem>> -> memref<120x128xf32, #tpu.memory_space<vmem>>
    %dma_start3A_54 = arith.constant 0 : i32
    %dma_start3A_55 = tpu.memref_slice %arg2[%add3A_48, %dma_start3A_54] : memref<320000x128xf32, #tpu.memory_space<hbm>> -> memref<120x128xf32, #tpu.memory_space<hbm>>
    %dma_start3A_56 = arith.constant 0 : i32
    %dma_start3A_57 = arith.constant 0 : i32
    %dma_start3A_58 = tpu.memref_slice %arg5[%dma_start3A_49, %dma_start3A_56, %dma_start3A_57] : memref<5x120x128xf32, #tpu.memory_space<vmem>> -> memref<1x120x128xf32, #tpu.memory_space<vmem>>
    %dma_start3A_59 = tpu.memref_squeeze %dma_start3A_58 : memref<1x120x128xf32, #tpu.memory_space<vmem>> -> memref<120x128xf32, #tpu.memory_space<vmem>>
    %dma_start3A_60 = arith.constant 0 : i32
    %dma_start3A_61 = tpu.memref_slice %arg2[%add3A_48, %dma_start3A_60] : memref<320000x128xf32, #tpu.memory_space<hbm>> -> memref<120x128xf32, #tpu.memory_space<hbm>>
    tpu.enqueue_dma source(%dma_start3A_61 : memref<120x128xf32, #tpu.memory_space<hbm>>) target(%dma_start3A_59 : memref<120x128xf32, #tpu.memory_space<vmem>>) target_semaphore(%arg12 : memref<!tpu.dma_semaphore, #tpu.memory_space<semaphore_mem>>)
    %add3A_62 = arith.constant 480 : i32
    %add3A_63 = arith.addi %mul3A_2, %add3A_62 : i32
    %dma_start3A_64 = arith.constant 4 : i32
    %dma_start3A_65 = arith.constant 0 : i32
    %dma_start3A_66 = arith.constant 0 : i32
    %dma_start3A_67 = tpu.memref_slice %arg5[%dma_start3A_64, %dma_start3A_65, %dma_start3A_66] : memref<5x120x128xf32, #tpu.memory_space<vmem>> -> memref<1x120x128xf32, #tpu.memory_space<vmem>>
    %dma_start3A_68 = tpu.memref_squeeze %dma_start3A_67 : memref<1x120x128xf32, #tpu.memory_space<vmem>> -> memref<120x128xf32, #tpu.memory_space<vmem>>
    %dma_start3A_69 = arith.constant 0 : i32
    %dma_start3A_70 = tpu.memref_slice %arg2[%add3A_63, %dma_start3A_69] : memref<320000x128xf32, #tpu.memory_space<hbm>> -> memref<120x128xf32, #tpu.memory_space<hbm>>
    %dma_start3A_71 = arith.constant 0 : i32
    %dma_start3A_72 = arith.constant 0 : i32
    %dma_start3A_73 = tpu.memref_slice %arg5[%dma_start3A_64, %dma_start3A_71, %dma_start3A_72] : memref<5x120x128xf32, #tpu.memory_space<vmem>> -> memref<1x120x128xf32, #tpu.memory_space<vmem>>
    %dma_start3A_74 = tpu.memref_squeeze %dma_start3A_73 : memref<1x120x128xf32, #tpu.memory_space<vmem>> -> memref<120x128xf32, #tpu.memory_space<vmem>>
    %dma_start3A_75 = arith.constant 0 : i32
    %dma_start3A_76 = tpu.memref_slice %arg2[%add3A_63, %dma_start3A_75] : memref<320000x128xf32, #tpu.memory_space<hbm>> -> memref<120x128xf32, #tpu.memory_space<hbm>>
    tpu.enqueue_dma source(%dma_start3A_76 : memref<120x128xf32, #tpu.memory_space<hbm>>) target(%dma_start3A_74 : memref<120x128xf32, #tpu.memory_space<vmem>>) target_semaphore(%arg13 : memref<!tpu.dma_semaphore, #tpu.memory_space<semaphore_mem>>)
    "tpu.region"() ({
      %run_scoped3A = tpu.sem_alloc : memref<!tpu.dma_semaphore, #tpu.memory_space<semaphore_mem>>
      %dma_start3A_119 = arith.constant 0 : i32
      %dma_start3A_120 = arith.constant 0 : i32
      %dma_start3A_121 = tpu.memref_slice %arg3[%add3A, %dma_start3A_119, %dma_start3A_120] : memref<32x65x120xi32, #tpu.memory_space<hbm>> -> memref<1x65x120xi32, #tpu.memory_space<hbm>>
      %dma_start3A_122 = tpu.memref_squeeze %dma_start3A_121 : memref<1x65x120xi32, #tpu.memory_space<hbm>> -> memref<65x120xi32, #tpu.memory_space<hbm>>
      %dma_start3A_123 = arith.constant 0 : i32
      %dma_start3A_124 = arith.constant 0 : i32
      %dma_start3A_125 = tpu.memref_slice %arg3[%add3A, %dma_start3A_123, %dma_start3A_124] : memref<32x65x120xi32, #tpu.memory_space<hbm>> -> memref<1x65x120xi32, #tpu.memory_space<hbm>>
      %dma_start3A_126 = tpu.memref_squeeze %dma_start3A_125 : memref<1x65x120xi32, #tpu.memory_space<hbm>> -> memref<65x120xi32, #tpu.memory_space<hbm>>
      tpu.enqueue_dma source(%dma_start3A_126 : memref<65x120xi32, #tpu.memory_space<hbm>>) target(%arg6 : memref<65x120xi32, #tpu.memory_space<vmem>>) target_semaphore(%run_scoped3A : memref<!tpu.dma_semaphore, #tpu.memory_space<semaphore_mem>>)
      %dma_wait3A_127 = arith.constant 0 : i32
      %dma_wait3A_128 = arith.constant 0 : i32
      %dma_wait3A_129 = tpu.memref_slice %arg3[%add3A, %dma_wait3A_127, %dma_wait3A_128] : memref<32x65x120xi32, #tpu.memory_space<hbm>> -> memref<1x65x120xi32, #tpu.memory_space<hbm>>
      %dma_wait3A_130 = tpu.memref_squeeze %dma_wait3A_129 : memref<1x65x120xi32, #tpu.memory_space<hbm>> -> memref<65x120xi32, #tpu.memory_space<hbm>>
      %dma_wait3A_131 = arith.constant 0 : i32
      %dma_wait3A_132 = arith.constant 0 : i32
      %dma_wait3A_133 = tpu.memref_slice %arg3[%add3A, %dma_wait3A_131, %dma_wait3A_132] : memref<32x65x120xi32, #tpu.memory_space<hbm>> -> memref<1x65x120xi32, #tpu.memory_space<hbm>>
      %dma_wait3A_134 = tpu.memref_squeeze %dma_wait3A_133 : memref<1x65x120xi32, #tpu.memory_space<hbm>> -> memref<65x120xi32, #tpu.memory_space<hbm>>
      tpu.wait_dma2 semaphore(%run_scoped3A : memref<!tpu.dma_semaphore, #tpu.memory_space<semaphore_mem>>) src(%dma_wait3A_134 : memref<65x120xi32, #tpu.memory_space<hbm>>) dst(%arg6 : memref<65x120xi32, #tpu.memory_space<vmem>>)
      tpu.yield
    }) : () -> ()
    %broadcast_in_dim3A = arith.constant 0.000000e+00 : f32
    %broadcast_in_dim3A_77 = vector.broadcast %broadcast_in_dim3A : f32 to vector<16xf32>
    %scan3A = arith.constant 0 : i32
    %scan3A_78 = arith.constant 0 : i32
    %scan3A_79 = arith.constant 64 : i32
    %scan3A_80 = arith.addi %scan3A_78, %scan3A_79 : i32
    %scan3A_81 = arith.constant 1 : i32
    scf.for %scan3A_119 = %scan3A_78 to %scan3A_80 step %scan3A_81  : i32 {
      %swap3A = arith.index_cast %scan3A_119 : i32 to index
      %swap3A_120 = arith.constant 0 : index
      %swap3A_121 = tpu.vector_load %arg7[%swap3A, %swap3A_120] {strides = array<i32>} : memref<64x128xf32, #tpu.memory_space<vmem>>, vector<1x16xf32>,
      %swap3A_122 = vector.shape_cast %swap3A_121 : vector<1x16xf32> to vector<16xf32>
      %swap3A_123 = vector.shape_cast %broadcast_in_dim3A_77 : vector<16xf32> to vector<1x16xf32>
      tpu.vector_store %arg7[%swap3A, %swap3A_120], %swap3A_123 {strides = array<i32>} : memref<64x128xf32, #tpu.memory_space<vmem>>, vector<1x16xf32>,
      %swap3A_124 = arith.index_cast %scan3A_119 : i32 to index
      %swap3A_125 = arith.constant 16 : index
      %swap3A_126 = tpu.vector_load %arg7[%swap3A_124, %swap3A_125] {strides = array<i32>} : memref<64x128xf32, #tpu.memory_space<vmem>>, vector<1x16xf32>,
      %swap3A_127 = vector.shape_cast %swap3A_126 : vector<1x16xf32> to vector<16xf32>
      %swap3A_128 = vector.shape_cast %broadcast_in_dim3A_77 : vector<16xf32> to vector<1x16xf32>
      tpu.vector_store %arg7[%swap3A_124, %swap3A_125], %swap3A_128 {strides = array<i32>} : memref<64x128xf32, #tpu.memory_space<vmem>>, vector<1x16xf32>,
      %swap3A_129 = arith.index_cast %scan3A_119 : i32 to index
      %swap3A_130 = arith.constant 32 : index
      %swap3A_131 = tpu.vector_load %arg7[%swap3A_129, %swap3A_130] {strides = array<i32>} : memref<64x128xf32, #tpu.memory_space<vmem>>, vector<1x16xf32>,
      %swap3A_132 = vector.shape_cast %swap3A_131 : vector<1x16xf32> to vector<16xf32>
      %swap3A_133 = vector.shape_cast %broadcast_in_dim3A_77 : vector<16xf32> to vector<1x16xf32>
      tpu.vector_store %arg7[%swap3A_129, %swap3A_130], %swap3A_133 {strides = array<i32>} : memref<64x128xf32, #tpu.memory_space<vmem>>, vector<1x16xf32>,
      %swap3A_134 = arith.index_cast %scan3A_119 : i32 to index
      %swap3A_135 = arith.constant 48 : index
      %swap3A_136 = tpu.vector_load %arg7[%swap3A_134, %swap3A_135] {strides = array<i32>} : memref<64x128xf32, #tpu.memory_space<vmem>>, vector<1x16xf32>,
      %swap3A_137 = vector.shape_cast %swap3A_136 : vector<1x16xf32> to vector<16xf32>
      %swap3A_138 = vector.shape_cast %broadcast_in_dim3A_77 : vector<16xf32> to vector<1x16xf32>
      tpu.vector_store %arg7[%swap3A_134, %swap3A_135], %swap3A_138 {strides = array<i32>} : memref<64x128xf32, #tpu.memory_space<vmem>>, vector<1x16xf32>,
      %swap3A_139 = arith.index_cast %scan3A_119 : i32 to index
      %swap3A_140 = arith.constant 64 : index
      %swap3A_141 = tpu.vector_load %arg7[%swap3A_139, %swap3A_140] {strides = array<i32>} : memref<64x128xf32, #tpu.memory_space<vmem>>, vector<1x16xf32>,
      %swap3A_142 = vector.shape_cast %swap3A_141 : vector<1x16xf32> to vector<16xf32>
      %swap3A_143 = vector.shape_cast %broadcast_in_dim3A_77 : vector<16xf32> to vector<1x16xf32>
      tpu.vector_store %arg7[%swap3A_139, %swap3A_140], %swap3A_143 {strides = array<i32>} : memref<64x128xf32, #tpu.memory_space<vmem>>, vector<1x16xf32>,
      %swap3A_144 = arith.index_cast %scan3A_119 : i32 to index
      %swap3A_145 = arith.constant 80 : index
      %swap3A_146 = tpu.vector_load %arg7[%swap3A_144, %swap3A_145] {strides = array<i32>} : memref<64x128xf32, #tpu.memory_space<vmem>>, vector<1x16xf32>,
      %swap3A_147 = vector.shape_cast %swap3A_146 : vector<1x16xf32> to vector<16xf32>
      %swap3A_148 = vector.shape_cast %broadcast_in_dim3A_77 : vector<16xf32> to vector<1x16xf32>
      tpu.vector_store %arg7[%swap3A_144, %swap3A_145], %swap3A_148 {strides = array<i32>} : memref<64x128xf32, #tpu.memory_space<vmem>>, vector<1x16xf32>,
      %swap3A_149 = arith.index_cast %scan3A_119 : i32 to index
      %swap3A_150 = arith.constant 96 : index
      %swap3A_151 = tpu.vector_load %arg7[%swap3A_149, %swap3A_150] {strides = array<i32>} : memref<64x128xf32, #tpu.memory_space<vmem>>, vector<1x16xf32>,
      %swap3A_152 = vector.shape_cast %swap3A_151 : vector<1x16xf32> to vector<16xf32>
      %swap3A_153 = vector.shape_cast %broadcast_in_dim3A_77 : vector<16xf32> to vector<1x16xf32>
      tpu.vector_store %arg7[%swap3A_149, %swap3A_150], %swap3A_153 {strides = array<i32>} : memref<64x128xf32, #tpu.memory_space<vmem>>, vector<1x16xf32>,
      %swap3A_154 = arith.index_cast %scan3A_119 : i32 to index
      %swap3A_155 = arith.constant 112 : index
      %swap3A_156 = tpu.vector_load %arg7[%swap3A_154, %swap3A_155] {strides = array<i32>} : memref<64x128xf32, #tpu.memory_space<vmem>>, vector<1x16xf32>,
      %swap3A_157 = vector.shape_cast %swap3A_156 : vector<1x16xf32> to vector<16xf32>
      %swap3A_158 = vector.shape_cast %broadcast_in_dim3A_77 : vector<16xf32> to vector<1x16xf32>
      tpu.vector_store %arg7[%swap3A_154, %swap3A_155], %swap3A_158 {strides = array<i32>} : memref<64x128xf32, #tpu.memory_space<vmem>>, vector<1x16xf32>,
    }
    %scan3A_82 = arith.constant 64 : i32
    %mul3A_83 = arith.constant 64 : i32
    %mul3A_84 = arith.muli %arg1, %mul3A_83 : i32
    "tpu.region"() ({
      %run_scoped3A = tpu.sem_alloc : memref<!tpu.dma_semaphore, #tpu.memory_space<semaphore_mem>>
      %dma_start3A_119 = arith.constant 0 : i32
      %dma_start3A_120 = tpu.memref_slice %arg8[%mul3A_84, %dma_start3A_119] : memref<1024x128xf32, #tpu.memory_space<vmem_shared>> -> memref<64x128xf32, #tpu.memory_space<vmem_shared>>
      %dma_start3A_121 = arith.constant 0 : i32
      %dma_start3A_122 = tpu.memref_slice %arg8[%mul3A_84, %dma_start3A_121] : memref<1024x128xf32, #tpu.memory_space<vmem_shared>> -> memref<64x128xf32, #tpu.memory_space<vmem_shared>>
      tpu.enqueue_dma source(%arg7 : memref<64x128xf32, #tpu.memory_space<vmem>>) target(%dma_start3A_122 : memref<64x128xf32, #tpu.memory_space<vmem_shared>>) target_semaphore(%run_scoped3A : memref<!tpu.dma_semaphore, #tpu.memory_space<semaphore_mem>>)
      %dma_wait3A_123 = arith.constant 0 : i32
      %dma_wait3A_124 = tpu.memref_slice %arg8[%mul3A_84, %dma_wait3A_123] : memref<1024x128xf32, #tpu.memory_space<vmem_shared>> -> memref<64x128xf32, #tpu.memory_space<vmem_shared>>
      %dma_wait3A_125 = arith.constant 0 : i32
      %dma_wait3A_126 = tpu.memref_slice %arg8[%mul3A_84, %dma_wait3A_125] : memref<1024x128xf32, #tpu.memory_space<vmem_shared>> -> memref<64x128xf32, #tpu.memory_space<vmem_shared>>
      tpu.wait_dma2 semaphore(%run_scoped3A : memref<!tpu.dma_semaphore, #tpu.memory_space<semaphore_mem>>) src(%arg7 : memref<64x128xf32, #tpu.memory_space<vmem>>) dst(%dma_wait3A_126 : memref<64x128xf32, #tpu.memory_space<vmem_shared>>)
      tpu.yield
    }) : () -> ()
    %barrier3A = arith.constant 0 : index
    tpu.barrier barrier_id(%barrier3A)
    %scan3A_85 = arith.constant 0 : i32
    %scan3A_86 = arith.constant 0 : i32
    %scan3A_87 = arith.constant 13 : i32
    %scan3A_88 = arith.addi %scan3A_86, %scan3A_87 : i32
    %scan3A_89 = arith.constant 1 : i32
    scf.for %scan3A_119 = %scan3A_86 to %scan3A_88 step %scan3A_89  : i32 {
      %mul3A_120 = arith.constant 5 : i32
      %mul3A_121 = arith.muli %scan3A_119, %mul3A_120 : i32
      %add3A_122 = arith.constant 0 : i32
      %add3A_123 = arith.addi %mul3A_121, %add3A_122 : i32
      %mul3A_124 = arith.constant 120 : i32
      %mul3A_125 = arith.muli %add3A_123, %mul3A_124 : i32
      %add3A_126 = arith.addi %mul3A_2, %mul3A_125 : i32
      %dma_wait3A_127 = arith.constant 0 : i32
      %dma_wait3A_128 = arith.constant 0 : i32
      %dma_wait3A_129 = arith.constant 0 : i32
      %dma_wait3A_130 = tpu.memref_slice %arg5[%dma_wait3A_127, %dma_wait3A_128, %dma_wait3A_129] : memref<5x120x128xf32, #tpu.memory_space<vmem>> -> memref<1x120x128xf32, #tpu.memory_space<vmem>>
      %dma_wait3A_131 = tpu.memref_squeeze %dma_wait3A_130 : memref<1x120x128xf32, #tpu.memory_space<vmem>> -> memref<120x128xf32, #tpu.memory_space<vmem>>
      %dma_wait3A_132 = arith.constant 0 : i32
      %dma_wait3A_133 = tpu.memref_slice %arg2[%add3A_126, %dma_wait3A_132] : memref<320000x128xf32, #tpu.memory_space<hbm>> -> memref<120x128xf32, #tpu.memory_space<hbm>>
      %dma_wait3A_134 = arith.constant 0 : i32
      %dma_wait3A_135 = arith.constant 0 : i32
      %dma_wait3A_136 = tpu.memref_slice %arg5[%dma_wait3A_127, %dma_wait3A_134, %dma_wait3A_135] : memref<5x120x128xf32, #tpu.memory_space<vmem>> -> memref<1x120x128xf32, #tpu.memory_space<vmem>>
      %dma_wait3A_137 = tpu.memref_squeeze %dma_wait3A_136 : memref<1x120x128xf32, #tpu.memory_space<vmem>> -> memref<120x128xf32, #tpu.memory_space<vmem>>
      %dma_wait3A_138 = arith.constant 0 : i32
      %dma_wait3A_139 = tpu.memref_slice %arg2[%add3A_126, %dma_wait3A_138] : memref<320000x128xf32, #tpu.memory_space<hbm>> -> memref<120x128xf32, #tpu.memory_space<hbm>>
      tpu.wait_dma2 semaphore(%arg9 : memref<!tpu.dma_semaphore, #tpu.memory_space<semaphore_mem>>) src(%dma_wait3A_139 : memref<120x128xf32, #tpu.memory_space<hbm>>) dst(%dma_wait3A_137 : memref<120x128xf32, #tpu.memory_space<vmem>>)
      %dma_start3A_140 = arith.constant 0 : i32
      %dma_start3A_141 = arith.constant 0 : i32
      %dma_start3A_142 = arith.constant 0 : i32
      %dma_start3A_143 = tpu.memref_slice %arg5[%dma_start3A_140, %dma_start3A_141, %dma_start3A_142] : memref<5x120x128xf32, #tpu.memory_space<vmem>> -> memref<1x120x128xf32, #tpu.memory_space<vmem>>
      %dma_start3A_144 = tpu.memref_squeeze %dma_start3A_143 : memref<1x120x128xf32, #tpu.memory_space<vmem>> -> memref<120x128xf32, #tpu.memory_space<vmem>>
      %dma_start3A_145 = arith.constant 0 : i32
      %dma_start3A_146 = tpu.memref_slice %arg6[%add3A_123, %dma_start3A_145] : memref<65x120xi32, #tpu.memory_space<vmem>> -> memref<1x120xi32, #tpu.memory_space<vmem>>
      %dma_start3A_147 = tpu.memref_squeeze %dma_start3A_146 : memref<1x120xi32, #tpu.memory_space<vmem>> -> memref<120xi32, #tpu.memory_space<vmem>>
      %dma_start3A_148 = arith.constant 0 : i32
      %dma_start3A_149 = arith.constant 0 : i32
      %dma_start3A_150 = tpu.memref_slice %arg8[%dma_start3A_148, %dma_start3A_149] : memref<1024x128xf32, #tpu.memory_space<vmem_shared>> -> memref<1024x128xf32, #tpu.memory_space<vmem_shared>>
      tpu.enqueue_indirect_dma source(%dma_start3A_144 : memref<120x128xf32, #tpu.memory_space<vmem>>) target(%dma_start3A_150 : memref<1024x128xf32, #tpu.memory_space<vmem_shared>>) offsets(%dma_start3A_147 : memref<120xi32, #tpu.memory_space<vmem>>) semaphore(%arg14 : memref<!tpu.dma_semaphore, #tpu.memory_space<semaphore_mem>>) {add = true}
      %sub3A = arith.constant 2 : i32
      %sub3A_151 = arith.subi %add3A_123, %sub3A : i32
      %ge3A = arith.constant 0 : i32
      %ge3A_152 = arith.cmpi sge, %sub3A_151, %ge3A : i32
      %convert_element_type3A = arith.extui %ge3A_152 : i1 to i32
      %cond3A = arith.constant 0 : i32
      %cond3A_153 = arith.cmpi ne, %convert_element_type3A, %cond3A : i32
      scf.if %cond3A_153 {
        %dma_wait3A_306 = arith.constant 3 : i32
        %dma_wait3A_307 = arith.constant 0 : i32
        %dma_wait3A_308 = arith.constant 0 : i32
        %dma_wait3A_309 = tpu.memref_slice %arg5[%dma_wait3A_306, %dma_wait3A_307, %dma_wait3A_308] : memref<5x120x128xf32, #tpu.memory_space<vmem>> -> memref<1x120x128xf32, #tpu.memory_space<vmem>>
        %dma_wait3A_310 = tpu.memref_squeeze %dma_wait3A_309 : memref<1x120x128xf32, #tpu.memory_space<vmem>> -> memref<120x128xf32, #tpu.memory_space<vmem>>
        %dma_wait3A_311 = arith.constant 0 : i32
        %dma_wait3A_312 = tpu.memref_slice %arg6[%sub3A_151, %dma_wait3A_311] : memref<65x120xi32, #tpu.memory_space<vmem>> -> memref<1x120xi32, #tpu.memory_space<vmem>>
        %dma_wait3A_313 = tpu.memref_squeeze %dma_wait3A_312 : memref<1x120xi32, #tpu.memory_space<vmem>> -> memref<120xi32, #tpu.memory_space<vmem>>
        %dma_wait3A_314 = arith.constant 0 : i32
        %dma_wait3A_315 = arith.constant 0 : i32
        %dma_wait3A_316 = tpu.memref_slice %arg8[%dma_wait3A_314, %dma_wait3A_315] : memref<1024x128xf32, #tpu.memory_space<vmem_shared>> -> memref<1024x128xf32, #tpu.memory_space<vmem_shared>>
        tpu.wait_indirect_dma semaphore(%arg17 : memref<!tpu.dma_semaphore, #tpu.memory_space<semaphore_mem>>) src(%dma_wait3A_310 : memref<120x128xf32, #tpu.memory_space<vmem>>) dst(%dma_wait3A_316 : memref<1024x128xf32, #tpu.memory_space<vmem_shared>>)
        %add3A_317 = arith.constant 5 : i32
        %add3A_318 = arith.addi %sub3A_151, %add3A_317 : i32
        %lt3A = arith.constant 65 : i32
        %lt3A_319 = arith.cmpi slt, %add3A_318, %lt3A : i32
        %convert_element_type3A_320 = arith.extui %lt3A_319 : i1 to i32
        %cond3A_321 = arith.constant 0 : i32
        %cond3A_322 = arith.cmpi ne, %convert_element_type3A_320, %cond3A_321 : i32
        scf.if %cond3A_322 {
          %add3A_323 = arith.constant 5 : i32
          %add3A_324 = arith.addi %sub3A_151, %add3A_323 : i32
          %mul3A_325 = arith.constant 120 : i32
          %mul3A_326 = arith.muli %add3A_324, %mul3A_325 : i32
          %add3A_327 = arith.addi %mul3A_2, %mul3A_326 : i32
          %dma_start3A_328 = arith.constant 3 : i32
          %dma_start3A_329 = arith.constant 0 : i32
          %dma_start3A_330 = arith.constant 0 : i32
          %dma_start3A_331 = tpu.memref_slice %arg5[%dma_start3A_328, %dma_start3A_329, %dma_start3A_330] : memref<5x120x128xf32, #tpu.memory_space<vmem>> -> memref<1x120x128xf32, #tpu.memory_space<vmem>>
          %dma_start3A_332 = tpu.memref_squeeze %dma_start3A_331 : memref<1x120x128xf32, #tpu.memory_space<vmem>> -> memref<120x128xf32, #tpu.memory_space<vmem>>
          %dma_start3A_333 = arith.constant 0 : i32
          %dma_start3A_334 = tpu.memref_slice %arg2[%add3A_327, %dma_start3A_333] : memref<320000x128xf32, #tpu.memory_space<hbm>> -> memref<120x128xf32, #tpu.memory_space<hbm>>
          %dma_start3A_335 = arith.constant 0 : i32
          %dma_start3A_336 = arith.constant 0 : i32
          %dma_start3A_337 = tpu.memref_slice %arg5[%dma_start3A_328, %dma_start3A_335, %dma_start3A_336] : memref<5x120x128xf32, #tpu.memory_space<vmem>> -> memref<1x120x128xf32, #tpu.memory_space<vmem>>
          %dma_start3A_338 = tpu.memref_squeeze %dma_start3A_337 : memref<1x120x128xf32, #tpu.memory_space<vmem>> -> memref<120x128xf32, #tpu.memory_space<vmem>>
          %dma_start3A_339 = arith.constant 0 : i32
          %dma_start3A_340 = tpu.memref_slice %arg2[%add3A_327, %dma_start3A_339] : memref<320000x128xf32, #tpu.memory_space<hbm>> -> memref<120x128xf32, #tpu.memory_space<hbm>>
          tpu.enqueue_dma source(%dma_start3A_340 : memref<120x128xf32, #tpu.memory_space<hbm>>) target(%dma_start3A_338 : memref<120x128xf32, #tpu.memory_space<vmem>>) target_semaphore(%arg12 : memref<!tpu.dma_semaphore, #tpu.memory_space<semaphore_mem>>)
        } else {
        }
      } else {
      }
      %mul3A_154 = arith.constant 5 : i32
      %mul3A_155 = arith.muli %scan3A_119, %mul3A_154 : i32
      %add3A_156 = arith.constant 1 : i32
      %add3A_157 = arith.addi %mul3A_155, %add3A_156 : i32
      %mul3A_158 = arith.constant 120 : i32
      %mul3A_159 = arith.muli %add3A_157, %mul3A_158 : i32
      %add3A_160 = arith.addi %mul3A_2, %mul3A_159 : i32
      %dma_wait3A_161 = arith.constant 1 : i32
      %dma_wait3A_162 = arith.constant 0 : i32
      %dma_wait3A_163 = arith.constant 0 : i32
      %dma_wait3A_164 = tpu.memref_slice %arg5[%dma_wait3A_161, %dma_wait3A_162, %dma_wait3A_163] : memref<5x120x128xf32, #tpu.memory_space<vmem>> -> memref<1x120x128xf32, #tpu.memory_space<vmem>>
      %dma_wait3A_165 = tpu.memref_squeeze %dma_wait3A_164 : memref<1x120x128xf32, #tpu.memory_space<vmem>> -> memref<120x128xf32, #tpu.memory_space<vmem>>
      %dma_wait3A_166 = arith.constant 0 : i32
      %dma_wait3A_167 = tpu.memref_slice %arg2[%add3A_160, %dma_wait3A_166] : memref<320000x128xf32, #tpu.memory_space<hbm>> -> memref<120x128xf32, #tpu.memory_space<hbm>>
      %dma_wait3A_168 = arith.constant 0 : i32
      %dma_wait3A_169 = arith.constant 0 : i32
      %dma_wait3A_170 = tpu.memref_slice %arg5[%dma_wait3A_161, %dma_wait3A_168, %dma_wait3A_169] : memref<5x120x128xf32, #tpu.memory_space<vmem>> -> memref<1x120x128xf32, #tpu.memory_space<vmem>>
      %dma_wait3A_171 = tpu.memref_squeeze %dma_wait3A_170 : memref<1x120x128xf32, #tpu.memory_space<vmem>> -> memref<120x128xf32, #tpu.memory_space<vmem>>
      %dma_wait3A_172 = arith.constant 0 : i32
      %dma_wait3A_173 = tpu.memref_slice %arg2[%add3A_160, %dma_wait3A_172] : memref<320000x128xf32, #tpu.memory_space<hbm>> -> memref<120x128xf32, #tpu.memory_space<hbm>>
      tpu.wait_dma2 semaphore(%arg10 : memref<!tpu.dma_semaphore, #tpu.memory_space<semaphore_mem>>) src(%dma_wait3A_173 : memref<120x128xf32, #tpu.memory_space<hbm>>) dst(%dma_wait3A_171 : memref<120x128xf32, #tpu.memory_space<vmem>>)
      %dma_start3A_174 = arith.constant 1 : i32
      %dma_start3A_175 = arith.constant 0 : i32
      %dma_start3A_176 = arith.constant 0 : i32
      %dma_start3A_177 = tpu.memref_slice %arg5[%dma_start3A_174, %dma_start3A_175, %dma_start3A_176] : memref<5x120x128xf32, #tpu.memory_space<vmem>> -> memref<1x120x128xf32, #tpu.memory_space<vmem>>
      %dma_start3A_178 = tpu.memref_squeeze %dma_start3A_177 : memref<1x120x128xf32, #tpu.memory_space<vmem>> -> memref<120x128xf32, #tpu.memory_space<vmem>>
      %dma_start3A_179 = arith.constant 0 : i32
      %dma_start3A_180 = tpu.memref_slice %arg6[%add3A_157, %dma_start3A_179] : memref<65x120xi32, #tpu.memory_space<vmem>> -> memref<1x120xi32, #tpu.memory_space<vmem>>
      %dma_start3A_181 = tpu.memref_squeeze %dma_start3A_180 : memref<1x120xi32, #tpu.memory_space<vmem>> -> memref<120xi32, #tpu.memory_space<vmem>>
      %dma_start3A_182 = arith.constant 0 : i32
      %dma_start3A_183 = arith.constant 0 : i32
      %dma_start3A_184 = tpu.memref_slice %arg8[%dma_start3A_182, %dma_start3A_183] : memref<1024x128xf32, #tpu.memory_space<vmem_shared>> -> memref<1024x128xf32, #tpu.memory_space<vmem_shared>>
      tpu.enqueue_indirect_dma source(%dma_start3A_178 : memref<120x128xf32, #tpu.memory_space<vmem>>) target(%dma_start3A_184 : memref<1024x128xf32, #tpu.memory_space<vmem_shared>>) offsets(%dma_start3A_181 : memref<120xi32, #tpu.memory_space<vmem>>) semaphore(%arg15 : memref<!tpu.dma_semaphore, #tpu.memory_space<semaphore_mem>>) {add = true}
      %sub3A_185 = arith.constant 2 : i32
      %sub3A_186 = arith.subi %add3A_157, %sub3A_185 : i32
      %ge3A_187 = arith.constant 0 : i32
      %ge3A_188 = arith.cmpi sge, %sub3A_186, %ge3A_187 : i32
      %convert_element_type3A_189 = arith.extui %ge3A_188 : i1 to i32
      %cond3A_190 = arith.constant 0 : i32
      %cond3A_191 = arith.cmpi ne, %convert_element_type3A_189, %cond3A_190 : i32
      scf.if %cond3A_191 {
        %dma_wait3A_306 = arith.constant 4 : i32
        %dma_wait3A_307 = arith.constant 0 : i32
        %dma_wait3A_308 = arith.constant 0 : i32
        %dma_wait3A_309 = tpu.memref_slice %arg5[%dma_wait3A_306, %dma_wait3A_307, %dma_wait3A_308] : memref<5x120x128xf32, #tpu.memory_space<vmem>> -> memref<1x120x128xf32, #tpu.memory_space<vmem>>
        %dma_wait3A_310 = tpu.memref_squeeze %dma_wait3A_309 : memref<1x120x128xf32, #tpu.memory_space<vmem>> -> memref<120x128xf32, #tpu.memory_space<vmem>>
        %dma_wait3A_311 = arith.constant 0 : i32
        %dma_wait3A_312 = tpu.memref_slice %arg6[%sub3A_186, %dma_wait3A_311] : memref<65x120xi32, #tpu.memory_space<vmem>> -> memref<1x120xi32, #tpu.memory_space<vmem>>
        %dma_wait3A_313 = tpu.memref_squeeze %dma_wait3A_312 : memref<1x120xi32, #tpu.memory_space<vmem>> -> memref<120xi32, #tpu.memory_space<vmem>>
        %dma_wait3A_314 = arith.constant 0 : i32
        %dma_wait3A_315 = arith.constant 0 : i32
        %dma_wait3A_316 = tpu.memref_slice %arg8[%dma_wait3A_314, %dma_wait3A_315] : memref<1024x128xf32, #tpu.memory_space<vmem_shared>> -> memref<1024x128xf32, #tpu.memory_space<vmem_shared>>
        tpu.wait_indirect_dma semaphore(%arg18 : memref<!tpu.dma_semaphore, #tpu.memory_space<semaphore_mem>>) src(%dma_wait3A_310 : memref<120x128xf32, #tpu.memory_space<vmem>>) dst(%dma_wait3A_316 : memref<1024x128xf32, #tpu.memory_space<vmem_shared>>)
        %add3A_317 = arith.constant 5 : i32
        %add3A_318 = arith.addi %sub3A_186, %add3A_317 : i32
        %lt3A = arith.constant 65 : i32
        %lt3A_319 = arith.cmpi slt, %add3A_318, %lt3A : i32
        %convert_element_type3A_320 = arith.extui %lt3A_319 : i1 to i32
        %cond3A_321 = arith.constant 0 : i32
        %cond3A_322 = arith.cmpi ne, %convert_element_type3A_320, %cond3A_321 : i32
        scf.if %cond3A_322 {
          %add3A_323 = arith.constant 5 : i32
          %add3A_324 = arith.addi %sub3A_186, %add3A_323 : i32
          %mul3A_325 = arith.constant 120 : i32
          %mul3A_326 = arith.muli %add3A_324, %mul3A_325 : i32
          %add3A_327 = arith.addi %mul3A_2, %mul3A_326 : i32
          %dma_start3A_328 = arith.constant 4 : i32
          %dma_start3A_329 = arith.constant 0 : i32
          %dma_start3A_330 = arith.constant 0 : i32
          %dma_start3A_331 = tpu.memref_slice %arg5[%dma_start3A_328, %dma_start3A_329, %dma_start3A_330] : memref<5x120x128xf32, #tpu.memory_space<vmem>> -> memref<1x120x128xf32, #tpu.memory_space<vmem>>
          %dma_start3A_332 = tpu.memref_squeeze %dma_start3A_331 : memref<1x120x128xf32, #tpu.memory_space<vmem>> -> memref<120x128xf32, #tpu.memory_space<vmem>>
          %dma_start3A_333 = arith.constant 0 : i32
          %dma_start3A_334 = tpu.memref_slice %arg2[%add3A_327, %dma_start3A_333] : memref<320000x128xf32, #tpu.memory_space<hbm>> -> memref<120x128xf32, #tpu.memory_space<hbm>>
          %dma_start3A_335 = arith.constant 0 : i32
          %dma_start3A_336 = arith.constant 0 : i32
          %dma_start3A_337 = tpu.memref_slice %arg5[%dma_start3A_328, %dma_start3A_335, %dma_start3A_336] : memref<5x120x128xf32, #tpu.memory_space<vmem>> -> memref<1x120x128xf32, #tpu.memory_space<vmem>>
          %dma_start3A_338 = tpu.memref_squeeze %dma_start3A_337 : memref<1x120x128xf32, #tpu.memory_space<vmem>> -> memref<120x128xf32, #tpu.memory_space<vmem>>
          %dma_start3A_339 = arith.constant 0 : i32
          %dma_start3A_340 = tpu.memref_slice %arg2[%add3A_327, %dma_start3A_339] : memref<320000x128xf32, #tpu.memory_space<hbm>> -> memref<120x128xf32, #tpu.memory_space<hbm>>
          tpu.enqueue_dma source(%dma_start3A_340 : memref<120x128xf32, #tpu.memory_space<hbm>>) target(%dma_start3A_338 : memref<120x128xf32, #tpu.memory_space<vmem>>) target_semaphore(%arg13 : memref<!tpu.dma_semaphore, #tpu.memory_space<semaphore_mem>>)
        } else {
        }
      } else {
      }
      %mul3A_192 = arith.constant 5 : i32
      %mul3A_193 = arith.muli %scan3A_119, %mul3A_192 : i32
      %add3A_194 = arith.constant 2 : i32
      %add3A_195 = arith.addi %mul3A_193, %add3A_194 : i32
      %mul3A_196 = arith.constant 120 : i32
      %mul3A_197 = arith.muli %add3A_195, %mul3A_196 : i32
      %add3A_198 = arith.addi %mul3A_2, %mul3A_197 : i32
      %dma_wait3A_199 = arith.constant 2 : i32
      %dma_wait3A_200 = arith.constant 0 : i32
      %dma_wait3A_201 = arith.constant 0 : i32
      %dma_wait3A_202 = tpu.memref_slice %arg5[%dma_wait3A_199, %dma_wait3A_200, %dma_wait3A_201] : memref<5x120x128xf32, #tpu.memory_space<vmem>> -> memref<1x120x128xf32, #tpu.memory_space<vmem>>
      %dma_wait3A_203 = tpu.memref_squeeze %dma_wait3A_202 : memref<1x120x128xf32, #tpu.memory_space<vmem>> -> memref<120x128xf32, #tpu.memory_space<vmem>>
      %dma_wait3A_204 = arith.constant 0 : i32
      %dma_wait3A_205 = tpu.memref_slice %arg2[%add3A_198, %dma_wait3A_204] : memref<320000x128xf32, #tpu.memory_space<hbm>> -> memref<120x128xf32, #tpu.memory_space<hbm>>
      %dma_wait3A_206 = arith.constant 0 : i32
      %dma_wait3A_207 = arith.constant 0 : i32
      %dma_wait3A_208 = tpu.memref_slice %arg5[%dma_wait3A_199, %dma_wait3A_206, %dma_wait3A_207] : memref<5x120x128xf32, #tpu.memory_space<vmem>> -> memref<1x120x128xf32, #tpu.memory_space<vmem>>
      %dma_wait3A_209 = tpu.memref_squeeze %dma_wait3A_208 : memref<1x120x128xf32, #tpu.memory_space<vmem>> -> memref<120x128xf32, #tpu.memory_space<vmem>>
      %dma_wait3A_210 = arith.constant 0 : i32
      %dma_wait3A_211 = tpu.memref_slice %arg2[%add3A_198, %dma_wait3A_210] : memref<320000x128xf32, #tpu.memory_space<hbm>> -> memref<120x128xf32, #tpu.memory_space<hbm>>
      tpu.wait_dma2 semaphore(%arg11 : memref<!tpu.dma_semaphore, #tpu.memory_space<semaphore_mem>>) src(%dma_wait3A_211 : memref<120x128xf32, #tpu.memory_space<hbm>>) dst(%dma_wait3A_209 : memref<120x128xf32, #tpu.memory_space<vmem>>)
      %dma_start3A_212 = arith.constant 2 : i32
      %dma_start3A_213 = arith.constant 0 : i32
      %dma_start3A_214 = arith.constant 0 : i32
      %dma_start3A_215 = tpu.memref_slice %arg5[%dma_start3A_212, %dma_start3A_213, %dma_start3A_214] : memref<5x120x128xf32, #tpu.memory_space<vmem>> -> memref<1x120x128xf32, #tpu.memory_space<vmem>>
      %dma_start3A_216 = tpu.memref_squeeze %dma_start3A_215 : memref<1x120x128xf32, #tpu.memory_space<vmem>> -> memref<120x128xf32, #tpu.memory_space<vmem>>
      %dma_start3A_217 = arith.constant 0 : i32
      %dma_start3A_218 = tpu.memref_slice %arg6[%add3A_195, %dma_start3A_217] : memref<65x120xi32, #tpu.memory_space<vmem>> -> memref<1x120xi32, #tpu.memory_space<vmem>>
      %dma_start3A_219 = tpu.memref_squeeze %dma_start3A_218 : memref<1x120xi32, #tpu.memory_space<vmem>> -> memref<120xi32, #tpu.memory_space<vmem>>
      %dma_start3A_220 = arith.constant 0 : i32
      %dma_start3A_221 = arith.constant 0 : i32
      %dma_start3A_222 = tpu.memref_slice %arg8[%dma_start3A_220, %dma_start3A_221] : memref<1024x128xf32, #tpu.memory_space<vmem_shared>> -> memref<1024x128xf32, #tpu.memory_space<vmem_shared>>
      tpu.enqueue_indirect_dma source(%dma_start3A_216 : memref<120x128xf32, #tpu.memory_space<vmem>>) target(%dma_start3A_222 : memref<1024x128xf32, #tpu.memory_space<vmem_shared>>) offsets(%dma_start3A_219 : memref<120xi32, #tpu.memory_space<vmem>>) semaphore(%arg16 : memref<!tpu.dma_semaphore, #tpu.memory_space<semaphore_mem>>) {add = true}
      %sub3A_223 = arith.constant 2 : i32
      %sub3A_224 = arith.subi %add3A_195, %sub3A_223 : i32
      %ge3A_225 = arith.constant 0 : i32
      %ge3A_226 = arith.cmpi sge, %sub3A_224, %ge3A_225 : i32
      %convert_element_type3A_227 = arith.extui %ge3A_226 : i1 to i32
      %cond3A_228 = arith.constant 0 : i32
      %cond3A_229 = arith.cmpi ne, %convert_element_type3A_227, %cond3A_228 : i32
      scf.if %cond3A_229 {
        %dma_wait3A_306 = arith.constant 0 : i32
        %dma_wait3A_307 = arith.constant 0 : i32
        %dma_wait3A_308 = arith.constant 0 : i32
        %dma_wait3A_309 = tpu.memref_slice %arg5[%dma_wait3A_306, %dma_wait3A_307, %dma_wait3A_308] : memref<5x120x128xf32, #tpu.memory_space<vmem>> -> memref<1x120x128xf32, #tpu.memory_space<vmem>>
        %dma_wait3A_310 = tpu.memref_squeeze %dma_wait3A_309 : memref<1x120x128xf32, #tpu.memory_space<vmem>> -> memref<120x128xf32, #tpu.memory_space<vmem>>
        %dma_wait3A_311 = arith.constant 0 : i32
        %dma_wait3A_312 = tpu.memref_slice %arg6[%sub3A_224, %dma_wait3A_311] : memref<65x120xi32, #tpu.memory_space<vmem>> -> memref<1x120xi32, #tpu.memory_space<vmem>>
        %dma_wait3A_313 = tpu.memref_squeeze %dma_wait3A_312 : memref<1x120xi32, #tpu.memory_space<vmem>> -> memref<120xi32, #tpu.memory_space<vmem>>
        %dma_wait3A_314 = arith.constant 0 : i32
        %dma_wait3A_315 = arith.constant 0 : i32
        %dma_wait3A_316 = tpu.memref_slice %arg8[%dma_wait3A_314, %dma_wait3A_315] : memref<1024x128xf32, #tpu.memory_space<vmem_shared>> -> memref<1024x128xf32, #tpu.memory_space<vmem_shared>>
        tpu.wait_indirect_dma semaphore(%arg14 : memref<!tpu.dma_semaphore, #tpu.memory_space<semaphore_mem>>) src(%dma_wait3A_310 : memref<120x128xf32, #tpu.memory_space<vmem>>) dst(%dma_wait3A_316 : memref<1024x128xf32, #tpu.memory_space<vmem_shared>>)
        %add3A_317 = arith.constant 5 : i32
        %add3A_318 = arith.addi %sub3A_224, %add3A_317 : i32
        %lt3A = arith.constant 65 : i32
        %lt3A_319 = arith.cmpi slt, %add3A_318, %lt3A : i32
        %convert_element_type3A_320 = arith.extui %lt3A_319 : i1 to i32
        %cond3A_321 = arith.constant 0 : i32
        %cond3A_322 = arith.cmpi ne, %convert_element_type3A_320, %cond3A_321 : i32
        scf.if %cond3A_322 {
          %add3A_323 = arith.constant 5 : i32
          %add3A_324 = arith.addi %sub3A_224, %add3A_323 : i32
          %mul3A_325 = arith.constant 120 : i32
          %mul3A_326 = arith.muli %add3A_324, %mul3A_325 : i32
          %add3A_327 = arith.addi %mul3A_2, %mul3A_326 : i32
          %dma_start3A_328 = arith.constant 0 : i32
          %dma_start3A_329 = arith.constant 0 : i32
          %dma_start3A_330 = arith.constant 0 : i32
          %dma_start3A_331 = tpu.memref_slice %arg5[%dma_start3A_328, %dma_start3A_329, %dma_start3A_330] : memref<5x120x128xf32, #tpu.memory_space<vmem>> -> memref<1x120x128xf32, #tpu.memory_space<vmem>>
          %dma_start3A_332 = tpu.memref_squeeze %dma_start3A_331 : memref<1x120x128xf32, #tpu.memory_space<vmem>> -> memref<120x128xf32, #tpu.memory_space<vmem>>
          %dma_start3A_333 = arith.constant 0 : i32
          %dma_start3A_334 = tpu.memref_slice %arg2[%add3A_327, %dma_start3A_333] : memref<320000x128xf32, #tpu.memory_space<hbm>> -> memref<120x128xf32, #tpu.memory_space<hbm>>
          %dma_start3A_335 = arith.constant 0 : i32
          %dma_start3A_336 = arith.constant 0 : i32
          %dma_start3A_337 = tpu.memref_slice %arg5[%dma_start3A_328, %dma_start3A_335, %dma_start3A_336] : memref<5x120x128xf32, #tpu.memory_space<vmem>> -> memref<1x120x128xf32, #tpu.memory_space<vmem>>
          %dma_start3A_338 = tpu.memref_squeeze %dma_start3A_337 : memref<1x120x128xf32, #tpu.memory_space<vmem>> -> memref<120x128xf32, #tpu.memory_space<vmem>>
          %dma_start3A_339 = arith.constant 0 : i32
          %dma_start3A_340 = tpu.memref_slice %arg2[%add3A_327, %dma_start3A_339] : memref<320000x128xf32, #tpu.memory_space<hbm>> -> memref<120x128xf32, #tpu.memory_space<hbm>>
          tpu.enqueue_dma source(%dma_start3A_340 : memref<120x128xf32, #tpu.memory_space<hbm>>) target(%dma_start3A_338 : memref<120x128xf32, #tpu.memory_space<vmem>>) target_semaphore(%arg9 : memref<!tpu.dma_semaphore, #tpu.memory_space<semaphore_mem>>)
        } else {
        }
      } else {
      }
      %mul3A_230 = arith.constant 5 : i32
      %mul3A_231 = arith.muli %scan3A_119, %mul3A_230 : i32
      %add3A_232 = arith.constant 3 : i32
      %add3A_233 = arith.addi %mul3A_231, %add3A_232 : i32
      %mul3A_234 = arith.constant 120 : i32
      %mul3A_235 = arith.muli %add3A_233, %mul3A_234 : i32
      %add3A_236 = arith.addi %mul3A_2, %mul3A_235 : i32
      %dma_wait3A_237 = arith.constant 3 : i32
      %dma_wait3A_238 = arith.constant 0 : i32
      %dma_wait3A_239 = arith.constant 0 : i32
      %dma_wait3A_240 = tpu.memref_slice %arg5[%dma_wait3A_237, %dma_wait3A_238, %dma_wait3A_239] : memref<5x120x128xf32, #tpu.memory_space<vmem>> -> memref<1x120x128xf32, #tpu.memory_space<vmem>>
      %dma_wait3A_241 = tpu.memref_squeeze %dma_wait3A_240 : memref<1x120x128xf32, #tpu.memory_space<vmem>> -> memref<120x128xf32, #tpu.memory_space<vmem>>
      %dma_wait3A_242 = arith.constant 0 : i32
      %dma_wait3A_243 = tpu.memref_slice %arg2[%add3A_236, %dma_wait3A_242] : memref<320000x128xf32, #tpu.memory_space<hbm>> -> memref<120x128xf32, #tpu.memory_space<hbm>>
      %dma_wait3A_244 = arith.constant 0 : i32
      %dma_wait3A_245 = arith.constant 0 : i32
      %dma_wait3A_246 = tpu.memref_slice %arg5[%dma_wait3A_237, %dma_wait3A_244, %dma_wait3A_245] : memref<5x120x128xf32, #tpu.memory_space<vmem>> -> memref<1x120x128xf32, #tpu.memory_space<vmem>>
      %dma_wait3A_247 = tpu.memref_squeeze %dma_wait3A_246 : memref<1x120x128xf32, #tpu.memory_space<vmem>> -> memref<120x128xf32, #tpu.memory_space<vmem>>
      %dma_wait3A_248 = arith.constant 0 : i32
      %dma_wait3A_249 = tpu.memref_slice %arg2[%add3A_236, %dma_wait3A_248] : memref<320000x128xf32, #tpu.memory_space<hbm>> -> memref<120x128xf32, #tpu.memory_space<hbm>>
      tpu.wait_dma2 semaphore(%arg12 : memref<!tpu.dma_semaphore, #tpu.memory_space<semaphore_mem>>) src(%dma_wait3A_249 : memref<120x128xf32, #tpu.memory_space<hbm>>) dst(%dma_wait3A_247 : memref<120x128xf32, #tpu.memory_space<vmem>>)
      %dma_start3A_250 = arith.constant 3 : i32
      %dma_start3A_251 = arith.constant 0 : i32
      %dma_start3A_252 = arith.constant 0 : i32
      %dma_start3A_253 = tpu.memref_slice %arg5[%dma_start3A_250, %dma_start3A_251, %dma_start3A_252] : memref<5x120x128xf32, #tpu.memory_space<vmem>> -> memref<1x120x128xf32, #tpu.memory_space<vmem>>
      %dma_start3A_254 = tpu.memref_squeeze %dma_start3A_253 : memref<1x120x128xf32, #tpu.memory_space<vmem>> -> memref<120x128xf32, #tpu.memory_space<vmem>>
      %dma_start3A_255 = arith.constant 0 : i32
      %dma_start3A_256 = tpu.memref_slice %arg6[%add3A_233, %dma_start3A_255] : memref<65x120xi32, #tpu.memory_space<vmem>> -> memref<1x120xi32, #tpu.memory_space<vmem>>
      %dma_start3A_257 = tpu.memref_squeeze %dma_start3A_256 : memref<1x120xi32, #tpu.memory_space<vmem>> -> memref<120xi32, #tpu.memory_space<vmem>>
      %dma_start3A_258 = arith.constant 0 : i32
      %dma_start3A_259 = arith.constant 0 : i32
      %dma_start3A_260 = tpu.memref_slice %arg8[%dma_start3A_258, %dma_start3A_259] : memref<1024x128xf32, #tpu.memory_space<vmem_shared>> -> memref<1024x128xf32, #tpu.memory_space<vmem_shared>>
      tpu.enqueue_indirect_dma source(%dma_start3A_254 : memref<120x128xf32, #tpu.memory_space<vmem>>) target(%dma_start3A_260 : memref<1024x128xf32, #tpu.memory_space<vmem_shared>>) offsets(%dma_start3A_257 : memref<120xi32, #tpu.memory_space<vmem>>) semaphore(%arg17 : memref<!tpu.dma_semaphore, #tpu.memory_space<semaphore_mem>>) {add = true}
      %sub3A_261 = arith.constant 2 : i32
      %sub3A_262 = arith.subi %add3A_233, %sub3A_261 : i32
      %ge3A_263 = arith.constant 0 : i32
      %ge3A_264 = arith.cmpi sge, %sub3A_262, %ge3A_263 : i32
      %convert_element_type3A_265 = arith.extui %ge3A_264 : i1 to i32
      %cond3A_266 = arith.constant 0 : i32
      %cond3A_267 = arith.cmpi ne, %convert_element_type3A_265, %cond3A_266 : i32
      scf.if %cond3A_267 {
        %dma_wait3A_306 = arith.constant 1 : i32
        %dma_wait3A_307 = arith.constant 0 : i32
        %dma_wait3A_308 = arith.constant 0 : i32
        %dma_wait3A_309 = tpu.memref_slice %arg5[%dma_wait3A_306, %dma_wait3A_307, %dma_wait3A_308] : memref<5x120x128xf32, #tpu.memory_space<vmem>> -> memref<1x120x128xf32, #tpu.memory_space<vmem>>
        %dma_wait3A_310 = tpu.memref_squeeze %dma_wait3A_309 : memref<1x120x128xf32, #tpu.memory_space<vmem>> -> memref<120x128xf32, #tpu.memory_space<vmem>>
        %dma_wait3A_311 = arith.constant 0 : i32
        %dma_wait3A_312 = tpu.memref_slice %arg6[%sub3A_262, %dma_wait3A_311] : memref<65x120xi32, #tpu.memory_space<vmem>> -> memref<1x120xi32, #tpu.memory_space<vmem>>
        %dma_wait3A_313 = tpu.memref_squeeze %dma_wait3A_312 : memref<1x120xi32, #tpu.memory_space<vmem>> -> memref<120xi32, #tpu.memory_space<vmem>>
        %dma_wait3A_314 = arith.constant 0 : i32
        %dma_wait3A_315 = arith.constant 0 : i32
        %dma_wait3A_316 = tpu.memref_slice %arg8[%dma_wait3A_314, %dma_wait3A_315] : memref<1024x128xf32, #tpu.memory_space<vmem_shared>> -> memref<1024x128xf32, #tpu.memory_space<vmem_shared>>
        tpu.wait_indirect_dma semaphore(%arg15 : memref<!tpu.dma_semaphore, #tpu.memory_space<semaphore_mem>>) src(%dma_wait3A_310 : memref<120x128xf32, #tpu.memory_space<vmem>>) dst(%dma_wait3A_316 : memref<1024x128xf32, #tpu.memory_space<vmem_shared>>)
        %add3A_317 = arith.constant 5 : i32
        %add3A_318 = arith.addi %sub3A_262, %add3A_317 : i32
        %lt3A = arith.constant 65 : i32
        %lt3A_319 = arith.cmpi slt, %add3A_318, %lt3A : i32
        %convert_element_type3A_320 = arith.extui %lt3A_319 : i1 to i32
        %cond3A_321 = arith.constant 0 : i32
        %cond3A_322 = arith.cmpi ne, %convert_element_type3A_320, %cond3A_321 : i32
        scf.if %cond3A_322 {
          %add3A_323 = arith.constant 5 : i32
          %add3A_324 = arith.addi %sub3A_262, %add3A_323 : i32
          %mul3A_325 = arith.constant 120 : i32
          %mul3A_326 = arith.muli %add3A_324, %mul3A_325 : i32
          %add3A_327 = arith.addi %mul3A_2, %mul3A_326 : i32
          %dma_start3A_328 = arith.constant 1 : i32
          %dma_start3A_329 = arith.constant 0 : i32
          %dma_start3A_330 = arith.constant 0 : i32
          %dma_start3A_331 = tpu.memref_slice %arg5[%dma_start3A_328, %dma_start3A_329, %dma_start3A_330] : memref<5x120x128xf32, #tpu.memory_space<vmem>> -> memref<1x120x128xf32, #tpu.memory_space<vmem>>
          %dma_start3A_332 = tpu.memref_squeeze %dma_start3A_331 : memref<1x120x128xf32, #tpu.memory_space<vmem>> -> memref<120x128xf32, #tpu.memory_space<vmem>>
          %dma_start3A_333 = arith.constant 0 : i32
          %dma_start3A_334 = tpu.memref_slice %arg2[%add3A_327, %dma_start3A_333] : memref<320000x128xf32, #tpu.memory_space<hbm>> -> memref<120x128xf32, #tpu.memory_space<hbm>>
          %dma_start3A_335 = arith.constant 0 : i32
          %dma_start3A_336 = arith.constant 0 : i32
          %dma_start3A_337 = tpu.memref_slice %arg5[%dma_start3A_328, %dma_start3A_335, %dma_start3A_336] : memref<5x120x128xf32, #tpu.memory_space<vmem>> -> memref<1x120x128xf32, #tpu.memory_space<vmem>>
          %dma_start3A_338 = tpu.memref_squeeze %dma_start3A_337 : memref<1x120x128xf32, #tpu.memory_space<vmem>> -> memref<120x128xf32, #tpu.memory_space<vmem>>
          %dma_start3A_339 = arith.constant 0 : i32
          %dma_start3A_340 = tpu.memref_slice %arg2[%add3A_327, %dma_start3A_339] : memref<320000x128xf32, #tpu.memory_space<hbm>> -> memref<120x128xf32, #tpu.memory_space<hbm>>
          tpu.enqueue_dma source(%dma_start3A_340 : memref<120x128xf32, #tpu.memory_space<hbm>>) target(%dma_start3A_338 : memref<120x128xf32, #tpu.memory_space<vmem>>) target_semaphore(%arg10 : memref<!tpu.dma_semaphore, #tpu.memory_space<semaphore_mem>>)
        } else {
        }
      } else {
      }
      %mul3A_268 = arith.constant 5 : i32
      %mul3A_269 = arith.muli %scan3A_119, %mul3A_268 : i32
      %add3A_270 = arith.constant 4 : i32
      %add3A_271 = arith.addi %mul3A_269, %add3A_270 : i32
      %mul3A_272 = arith.constant 120 : i32
      %mul3A_273 = arith.muli %add3A_271, %mul3A_272 : i32
      %add3A_274 = arith.addi %mul3A_2, %mul3A_273 : i32
      %dma_wait3A_275 = arith.constant 4 : i32
      %dma_wait3A_276 = arith.constant 0 : i32
      %dma_wait3A_277 = arith.constant 0 : i32
      %dma_wait3A_278 = tpu.memref_slice %arg5[%dma_wait3A_275, %dma_wait3A_276, %dma_wait3A_277] : memref<5x120x128xf32, #tpu.memory_space<vmem>> -> memref<1x120x128xf32, #tpu.memory_space<vmem>>
      %dma_wait3A_279 = tpu.memref_squeeze %dma_wait3A_278 : memref<1x120x128xf32, #tpu.memory_space<vmem>> -> memref<120x128xf32, #tpu.memory_space<vmem>>
      %dma_wait3A_280 = arith.constant 0 : i32
      %dma_wait3A_281 = tpu.memref_slice %arg2[%add3A_274, %dma_wait3A_280] : memref<320000x128xf32, #tpu.memory_space<hbm>> -> memref<120x128xf32, #tpu.memory_space<hbm>>
      %dma_wait3A_282 = arith.constant 0 : i32
      %dma_wait3A_283 = arith.constant 0 : i32
      %dma_wait3A_284 = tpu.memref_slice %arg5[%dma_wait3A_275, %dma_wait3A_282, %dma_wait3A_283] : memref<5x120x128xf32, #tpu.memory_space<vmem>> -> memref<1x120x128xf32, #tpu.memory_space<vmem>>
      %dma_wait3A_285 = tpu.memref_squeeze %dma_wait3A_284 : memref<1x120x128xf32, #tpu.memory_space<vmem>> -> memref<120x128xf32, #tpu.memory_space<vmem>>
      %dma_wait3A_286 = arith.constant 0 : i32
      %dma_wait3A_287 = tpu.memref_slice %arg2[%add3A_274, %dma_wait3A_286] : memref<320000x128xf32, #tpu.memory_space<hbm>> -> memref<120x128xf32, #tpu.memory_space<hbm>>
      tpu.wait_dma2 semaphore(%arg13 : memref<!tpu.dma_semaphore, #tpu.memory_space<semaphore_mem>>) src(%dma_wait3A_287 : memref<120x128xf32, #tpu.memory_space<hbm>>) dst(%dma_wait3A_285 : memref<120x128xf32, #tpu.memory_space<vmem>>)
      %dma_start3A_288 = arith.constant 4 : i32
      %dma_start3A_289 = arith.constant 0 : i32
      %dma_start3A_290 = arith.constant 0 : i32
      %dma_start3A_291 = tpu.memref_slice %arg5[%dma_start3A_288, %dma_start3A_289, %dma_start3A_290] : memref<5x120x128xf32, #tpu.memory_space<vmem>> -> memref<1x120x128xf32, #tpu.memory_space<vmem>>
      %dma_start3A_292 = tpu.memref_squeeze %dma_start3A_291 : memref<1x120x128xf32, #tpu.memory_space<vmem>> -> memref<120x128xf32, #tpu.memory_space<vmem>>
      %dma_start3A_293 = arith.constant 0 : i32
      %dma_start3A_294 = tpu.memref_slice %arg6[%add3A_271, %dma_start3A_293] : memref<65x120xi32, #tpu.memory_space<vmem>> -> memref<1x120xi32, #tpu.memory_space<vmem>>
      %dma_start3A_295 = tpu.memref_squeeze %dma_start3A_294 : memref<1x120xi32, #tpu.memory_space<vmem>> -> memref<120xi32, #tpu.memory_space<vmem>>
      %dma_start3A_296 = arith.constant 0 : i32
      %dma_start3A_297 = arith.constant 0 : i32
      %dma_start3A_298 = tpu.memref_slice %arg8[%dma_start3A_296, %dma_start3A_297] : memref<1024x128xf32, #tpu.memory_space<vmem_shared>> -> memref<1024x128xf32, #tpu.memory_space<vmem_shared>>
      tpu.enqueue_indirect_dma source(%dma_start3A_292 : memref<120x128xf32, #tpu.memory_space<vmem>>) target(%dma_start3A_298 : memref<1024x128xf32, #tpu.memory_space<vmem_shared>>) offsets(%dma_start3A_295 : memref<120xi32, #tpu.memory_space<vmem>>) semaphore(%arg18 : memref<!tpu.dma_semaphore, #tpu.memory_space<semaphore_mem>>) {add = true}
      %sub3A_299 = arith.constant 2 : i32
      %sub3A_300 = arith.subi %add3A_271, %sub3A_299 : i32
      %ge3A_301 = arith.constant 0 : i32
      %ge3A_302 = arith.cmpi sge, %sub3A_300, %ge3A_301 : i32
      %convert_element_type3A_303 = arith.extui %ge3A_302 : i1 to i32
      %cond3A_304 = arith.constant 0 : i32
      %cond3A_305 = arith.cmpi ne, %convert_element_type3A_303, %cond3A_304 : i32
      scf.if %cond3A_305 {
        %dma_wait3A_306 = arith.constant 2 : i32
        %dma_wait3A_307 = arith.constant 0 : i32
        %dma_wait3A_308 = arith.constant 0 : i32
        %dma_wait3A_309 = tpu.memref_slice %arg5[%dma_wait3A_306, %dma_wait3A_307, %dma_wait3A_308] : memref<5x120x128xf32, #tpu.memory_space<vmem>> -> memref<1x120x128xf32, #tpu.memory_space<vmem>>
        %dma_wait3A_310 = tpu.memref_squeeze %dma_wait3A_309 : memref<1x120x128xf32, #tpu.memory_space<vmem>> -> memref<120x128xf32, #tpu.memory_space<vmem>>
        %dma_wait3A_311 = arith.constant 0 : i32
        %dma_wait3A_312 = tpu.memref_slice %arg6[%sub3A_300, %dma_wait3A_311] : memref<65x120xi32, #tpu.memory_space<vmem>> -> memref<1x120xi32, #tpu.memory_space<vmem>>
        %dma_wait3A_313 = tpu.memref_squeeze %dma_wait3A_312 : memref<1x120xi32, #tpu.memory_space<vmem>> -> memref<120xi32, #tpu.memory_space<vmem>>
        %dma_wait3A_314 = arith.constant 0 : i32
        %dma_wait3A_315 = arith.constant 0 : i32
        %dma_wait3A_316 = tpu.memref_slice %arg8[%dma_wait3A_314, %dma_wait3A_315] : memref<1024x128xf32, #tpu.memory_space<vmem_shared>> -> memref<1024x128xf32, #tpu.memory_space<vmem_shared>>
        tpu.wait_indirect_dma semaphore(%arg16 : memref<!tpu.dma_semaphore, #tpu.memory_space<semaphore_mem>>) src(%dma_wait3A_310 : memref<120x128xf32, #tpu.memory_space<vmem>>) dst(%dma_wait3A_316 : memref<1024x128xf32, #tpu.memory_space<vmem_shared>>)
        %add3A_317 = arith.constant 5 : i32
        %add3A_318 = arith.addi %sub3A_300, %add3A_317 : i32
        %lt3A = arith.constant 65 : i32
        %lt3A_319 = arith.cmpi slt, %add3A_318, %lt3A : i32
        %convert_element_type3A_320 = arith.extui %lt3A_319 : i1 to i32
        %cond3A_321 = arith.constant 0 : i32
        %cond3A_322 = arith.cmpi ne, %convert_element_type3A_320, %cond3A_321 : i32
        scf.if %cond3A_322 {
          %add3A_323 = arith.constant 5 : i32
          %add3A_324 = arith.addi %sub3A_300, %add3A_323 : i32
          %mul3A_325 = arith.constant 120 : i32
          %mul3A_326 = arith.muli %add3A_324, %mul3A_325 : i32
          %add3A_327 = arith.addi %mul3A_2, %mul3A_326 : i32
          %dma_start3A_328 = arith.constant 2 : i32
          %dma_start3A_329 = arith.constant 0 : i32
          %dma_start3A_330 = arith.constant 0 : i32
          %dma_start3A_331 = tpu.memref_slice %arg5[%dma_start3A_328, %dma_start3A_329, %dma_start3A_330] : memref<5x120x128xf32, #tpu.memory_space<vmem>> -> memref<1x120x128xf32, #tpu.memory_space<vmem>>
          %dma_start3A_332 = tpu.memref_squeeze %dma_start3A_331 : memref<1x120x128xf32, #tpu.memory_space<vmem>> -> memref<120x128xf32, #tpu.memory_space<vmem>>
          %dma_start3A_333 = arith.constant 0 : i32
          %dma_start3A_334 = tpu.memref_slice %arg2[%add3A_327, %dma_start3A_333] : memref<320000x128xf32, #tpu.memory_space<hbm>> -> memref<120x128xf32, #tpu.memory_space<hbm>>
          %dma_start3A_335 = arith.constant 0 : i32
          %dma_start3A_336 = arith.constant 0 : i32
          %dma_start3A_337 = tpu.memref_slice %arg5[%dma_start3A_328, %dma_start3A_335, %dma_start3A_336] : memref<5x120x128xf32, #tpu.memory_space<vmem>> -> memref<1x120x128xf32, #tpu.memory_space<vmem>>
          %dma_start3A_338 = tpu.memref_squeeze %dma_start3A_337 : memref<1x120x128xf32, #tpu.memory_space<vmem>> -> memref<120x128xf32, #tpu.memory_space<vmem>>
          %dma_start3A_339 = arith.constant 0 : i32
          %dma_start3A_340 = tpu.memref_slice %arg2[%add3A_327, %dma_start3A_339] : memref<320000x128xf32, #tpu.memory_space<hbm>> -> memref<120x128xf32, #tpu.memory_space<hbm>>
          tpu.enqueue_dma source(%dma_start3A_340 : memref<120x128xf32, #tpu.memory_space<hbm>>) target(%dma_start3A_338 : memref<120x128xf32, #tpu.memory_space<vmem>>) target_semaphore(%arg11 : memref<!tpu.dma_semaphore, #tpu.memory_space<semaphore_mem>>)
        } else {
        }
      } else {
      }
    }
    %scan3A_90 = arith.constant 13 : i32
    %dma_wait3A = arith.constant 3 : i32
    %dma_wait3A_91 = arith.constant 63 : i32
    %dma_wait3A_92 = arith.constant 0 : i32
    %dma_wait3A_93 = arith.constant 0 : i32
    %dma_wait3A_94 = tpu.memref_slice %arg5[%dma_wait3A, %dma_wait3A_92, %dma_wait3A_93] : memref<5x120x128xf32, #tpu.memory_space<vmem>> -> memref<1x120x128xf32, #tpu.memory_space<vmem>>
    %dma_wait3A_95 = tpu.memref_squeeze %dma_wait3A_94 : memref<1x120x128xf32, #tpu.memory_space<vmem>> -> memref<120x128xf32, #tpu.memory_space<vmem>>
    %dma_wait3A_96 = arith.constant 0 : i32
    %dma_wait3A_97 = tpu.memref_slice %arg6[%dma_wait3A_91, %dma_wait3A_96] : memref<65x120xi32, #tpu.memory_space<vmem>> -> memref<1x120xi32, #tpu.memory_space<vmem>>
    %dma_wait3A_98 = tpu.memref_squeeze %dma_wait3A_97 : memref<1x120xi32, #tpu.memory_space<vmem>> -> memref<120xi32, #tpu.memory_space<vmem>>
    %dma_wait3A_99 = arith.constant 0 : i32
    %dma_wait3A_100 = arith.constant 0 : i32
    %dma_wait3A_101 = tpu.memref_slice %arg8[%dma_wait3A_99, %dma_wait3A_100] : memref<1024x128xf32, #tpu.memory_space<vmem_shared>> -> memref<1024x128xf32, #tpu.memory_space<vmem_shared>>
    tpu.wait_indirect_dma semaphore(%arg17 : memref<!tpu.dma_semaphore, #tpu.memory_space<semaphore_mem>>) src(%dma_wait3A_95 : memref<120x128xf32, #tpu.memory_space<vmem>>) dst(%dma_wait3A_101 : memref<1024x128xf32, #tpu.memory_space<vmem_shared>>)
    %dma_wait3A_102 = arith.constant 4 : i32
    %dma_wait3A_103 = arith.constant 64 : i32
    %dma_wait3A_104 = arith.constant 0 : i32
    %dma_wait3A_105 = arith.constant 0 : i32
    %dma_wait3A_106 = tpu.memref_slice %arg5[%dma_wait3A_102, %dma_wait3A_104, %dma_wait3A_105] : memref<5x120x128xf32, #tpu.memory_space<vmem>> -> memref<1x120x128xf32, #tpu.memory_space<vmem>>
    %dma_wait3A_107 = tpu.memref_squeeze %dma_wait3A_106 : memref<1x120x128xf32, #tpu.memory_space<vmem>> -> memref<120x128xf32, #tpu.memory_space<vmem>>
    %dma_wait3A_108 = arith.constant 0 : i32
    %dma_wait3A_109 = tpu.memref_slice %arg6[%dma_wait3A_103, %dma_wait3A_108] : memref<65x120xi32, #tpu.memory_space<vmem>> -> memref<1x120xi32, #tpu.memory_space<vmem>>
    %dma_wait3A_110 = tpu.memref_squeeze %dma_wait3A_109 : memref<1x120xi32, #tpu.memory_space<vmem>> -> memref<120xi32, #tpu.memory_space<vmem>>
    %dma_wait3A_111 = arith.constant 0 : i32
    %dma_wait3A_112 = arith.constant 0 : i32
    %dma_wait3A_113 = tpu.memref_slice %arg8[%dma_wait3A_111, %dma_wait3A_112] : memref<1024x128xf32, #tpu.memory_space<vmem_shared>> -> memref<1024x128xf32, #tpu.memory_space<vmem_shared>>
    tpu.wait_indirect_dma semaphore(%arg18 : memref<!tpu.dma_semaphore, #tpu.memory_space<semaphore_mem>>) src(%dma_wait3A_107 : memref<120x128xf32, #tpu.memory_space<vmem>>) dst(%dma_wait3A_113 : memref<1024x128xf32, #tpu.memory_space<vmem_shared>>)
    %barrier3A_114 = arith.constant 0 : index
    tpu.barrier barrier_id(%barrier3A_114)
    %mul3A_115 = arith.constant 64 : i32
    %mul3A_116 = arith.muli %arg1, %mul3A_115 : i32
    %mul3A_117 = arith.constant 64 : i32
    %mul3A_118 = arith.muli %arg1, %mul3A_117 : i32
    "tpu.region"() ({
      %run_scoped3A = tpu.sem_alloc : memref<!tpu.dma_semaphore, #tpu.memory_space<semaphore_mem>>
      %dma_start3A_119 = arith.constant 0 : i32
      %dma_start3A_120 = arith.constant 0 : i32
      %dma_start3A_121 = tpu.memref_slice %arg4[%arg0, %dma_start3A_119, %dma_start3A_120] : memref<2x1024x128xf32, #tpu.memory_space<hbm>> -> memref<1x1024x128xf32, #tpu.memory_space<hbm>>
      %dma_start3A_122 = tpu.memref_squeeze %dma_start3A_121 : memref<1x1024x128xf32, #tpu.memory_space<hbm>> -> memref<1024x128xf32, #tpu.memory_space<hbm>>
      %dma_start3A_123 = arith.constant 0 : i32
      %dma_start3A_124 = tpu.memref_slice %dma_start3A_122[%mul3A_118, %dma_start3A_123] : memref<1024x128xf32, #tpu.memory_space<hbm>> -> memref<64x128xf32, #tpu.memory_space<hbm>>
      %dma_start3A_125 = arith.constant 0 : i32
      %dma_start3A_126 = tpu.memref_slice %arg8[%mul3A_116, %dma_start3A_125] : memref<1024x128xf32, #tpu.memory_space<vmem_shared>> -> memref<64x128xf32, #tpu.memory_space<vmem_shared>>
      tpu.enqueue_dma source(%dma_start3A_126 : memref<64x128xf32, #tpu.memory_space<vmem_shared>>) target(%dma_start3A_124 : memref<64x128xf32, #tpu.memory_space<hbm>>) target_semaphore(%run_scoped3A : memref<!tpu.dma_semaphore, #tpu.memory_space<semaphore_mem>>)
      %dma_wait3A_127 = arith.constant 0 : i32
      %dma_wait3A_128 = arith.constant 0 : i32
      %dma_wait3A_129 = tpu.memref_slice %arg4[%arg0, %dma_wait3A_127, %dma_wait3A_128] : memref<2x1024x128xf32, #tpu.memory_space<hbm>> -> memref<1x1024x128xf32, #tpu.memory_space<hbm>>
      %dma_wait3A_130 = tpu.memref_squeeze %dma_wait3A_129 : memref<1x1024x128xf32, #tpu.memory_space<hbm>> -> memref<1024x128xf32, #tpu.memory_space<hbm>>
      %dma_wait3A_131 = arith.constant 0 : i32
      %dma_wait3A_132 = tpu.memref_slice %dma_wait3A_130[%mul3A_118, %dma_wait3A_131] : memref<1024x128xf32, #tpu.memory_space<hbm>> -> memref<64x128xf32, #tpu.memory_space<hbm>>
      %dma_wait3A_133 = arith.constant 0 : i32
      %dma_wait3A_134 = tpu.memref_slice %arg8[%mul3A_116, %dma_wait3A_133] : memref<1024x128xf32, #tpu.memory_space<vmem_shared>> -> memref<64x128xf32, #tpu.memory_space<vmem_shared>>
      tpu.wait_dma2 semaphore(%run_scoped3A : memref<!tpu.dma_semaphore, #tpu.memory_space<semaphore_mem>>) src(%dma_wait3A_134 : memref<64x128xf32, #tpu.memory_space<vmem_shared>>) dst(%dma_wait3A_132 : memref<64x128xf32, #tpu.memory_space<hbm>>)
      tpu.yield
    }) : () -> ()
    return
  }
}

module attributes {stable_mosaic.version = 14 : i64} {
  func.func @_tc_body(%arg0: i32, %arg1: memref<1x1x640xi32, #tpu.memory_space<vmem>>, %arg2: memref<640x128xf32, #tpu.memory_space<vmem>>, %arg3: memref<1024x128xf32, #tpu.memory_space<vmem>>) attributes {dimension_semantics = [#tpu.dimension_semantics<arbitrary>], iteration_bounds = array<i64: 110>, scalar_prefetch = 0 : i64, scratch_operands = 0 : i64, tpu.core_type = #tpu.core_type<tc>, window_params = [{transform_indices = @transform_0, window_bounds = array<i64: 1, 1, 640>}, {transform_indices = @transform_1, window_bounds = array<i64: 640, 128>}, {pipeline_mode = #tpu.pipeline_mode<synchronous>, transform_indices = @transform_2, window_bounds = array<i64: 1024, 128>}]} {
    %iota3A = tpu.iota {dimensions = array<i32: 0>} : vector<1024x640xi32>
    %get3A = arith.constant 0 : index
    %get3A_0 = arith.constant 0 : index
    %get3A_1 = arith.constant 0 : index
    %get3A_2 = vector.load %arg1[%get3A, %get3A_0, %get3A_1] : memref<1x1x640xi32, #tpu.memory_space<vmem>>, vector<1x1x640xi32>
    %get3A_3 = vector.shape_cast %get3A_2 : vector<1x1x640xi32> to vector<1x640xi32>
    %eq3A = vector.broadcast %get3A_3 : vector<1x640xi32> to vector<1024x640xi32>
    %eq3A_4 = arith.cmpi eq, %iota3A, %eq3A : vector<1024x640xi32>
    %jit3A = arith.constant 1.000000e+00 : f32
    %jit3A_5 = arith.constant 0.000000e+00 : f32
    %broadcast_in_dim3A = vector.broadcast %jit3A : f32 to vector<1024x640xf32>
    %broadcast_in_dim3A_6 = vector.broadcast %jit3A_5 : f32 to vector<1024x640xf32>
    %select_n3A = arith.select %eq3A_4, %broadcast_in_dim3A, %broadcast_in_dim3A_6 : vector<1024x640xi1>, vector<1024x640xf32>
    %get3A_7 = arith.constant 0 : index
    %get3A_8 = arith.constant 0 : index
    %get3A_9 = vector.load %arg2[%get3A_7, %get3A_8] : memref<640x128xf32, #tpu.memory_space<vmem>>, vector<640x128xf32>
    %dot_general3A = arith.constant dense<0.000000e+00> : vector<1024x128xf32>
    %dot_general3A_10 = tpu.matmul %select_n3A, %get3A_9, %dot_general3A {dimension_numbers = #tpu.dot_dimension_numbers<[1], [0], [0], [1], [0, 0, 1, 1], [], []>, transpose_lhs_hint = false} : vector<1024x640xf32>, vector<640x128xf32>, vector<1024x128xf32> -> vector<1024x128xf32>
    %eq3A_11 = arith.constant 0 : i32
    %eq3A_12 = arith.cmpi eq, %arg0, %eq3A_11 : i32
    %convert_element_type3A = arith.extui %eq3A_12 : i1 to i32
    %cond3A = arith.constant 0 : i32
    %cond3A_13 = arith.cmpi ne, %convert_element_type3A, %cond3A : i32
    scf.if %cond3A_13 {
      %broadcast_in_dim3A_19 = arith.constant 0.000000e+00 : f32
      %broadcast_in_dim3A_20 = vector.broadcast %broadcast_in_dim3A_19 : f32 to vector<1024x128xf32>
      %swap3A_21 = arith.constant 0 : index
      %swap3A_22 = arith.constant 0 : index
      %swap3A_23 = vector.load %arg3[%swap3A_21, %swap3A_22] : memref<1024x128xf32, #tpu.memory_space<vmem>>, vector<1024x128xf32>
      tpu.vector_store %arg3[%swap3A_21, %swap3A_22], %broadcast_in_dim3A_20 {strides = array<i32>} : memref<1024x128xf32, #tpu.memory_space<vmem>>, vector<1024x128xf32>,
    } else {
    }
    %get3A_14 = arith.constant 0 : index
    %get3A_15 = arith.constant 0 : index
    %get3A_16 = vector.load %arg3[%get3A_14, %get3A_15] : memref<1024x128xf32, #tpu.memory_space<vmem>>, vector<1024x128xf32>
    %add3A = arith.addf %get3A_16, %dot_general3A_10 : vector<1024x128xf32>
    %swap3A = arith.constant 0 : index
    %swap3A_17 = arith.constant 0 : index
    %swap3A_18 = vector.load %arg3[%swap3A, %swap3A_17] : memref<1024x128xf32, #tpu.memory_space<vmem>>, vector<1024x128xf32>
    tpu.vector_store %arg3[%swap3A, %swap3A_17], %add3A {strides = array<i32>} : memref<1024x128xf32, #tpu.memory_space<vmem>>, vector<1024x128xf32>,
    return
  }
  func.func @transform_0(%arg0: i32) -> (i32, i32, i32) {
    %add3A = arith.constant 390 : i32
    %add3A_0 = arith.addi %arg0, %add3A : i32
    %c0_i32 = arith.constant 0 : i32
    %c0_i32_1 = arith.constant 0 : i32
    %c0_i32_2 = arith.constant 0 : i32
    return %add3A_0, %c0_i32, %c0_i32_1 : i32, i32, i32
  }
  func.func @transform_1(%arg0: i32) -> (i32, i32) {
    %add3A = arith.constant 390 : i32
    %add3A_0 = arith.addi %arg0, %add3A : i32
    %c0_i32 = arith.constant 0 : i32
    %c0_i32_1 = arith.constant 0 : i32
    return %add3A_0, %c0_i32 : i32, i32
  }
  func.func @transform_2(%arg0: i32) -> (i32, i32) {
    %c0_i32 = arith.constant 0 : i32
    %c0_i32_0 = arith.constant 0 : i32
    %c0_i32_1 = arith.constant 0 : i32
    return %c0_i32, %c0_i32_0 : i32, i32
  }
}

module attributes {stable_mosaic.version = 14 : i64} {
  func.func @_combine_body(%arg0: memref<2x1024x128xf32, #tpu.memory_space<vmem>>, %arg1: memref<1024x128xf32, #tpu.memory_space<vmem>>, %arg2: memref<1024x128xf32, #tpu.memory_space<vmem>>) attributes {dimension_semantics = [], scalar_prefetch = 0 : i64, scratch_operands = 0 : i64, tpu.core_type = #tpu.core_type<tc>} {
    %get3A = arith.constant 0 : index
    %get3A_0 = arith.constant 0 : index
    %get3A_1 = arith.constant 0 : index
    %get3A_2 = vector.load %arg0[%get3A, %get3A_0, %get3A_1] : memref<2x1024x128xf32, #tpu.memory_space<vmem>>, vector<1x1024x128xf32>
    %get3A_3 = vector.shape_cast %get3A_2 : vector<1x1024x128xf32> to vector<1024x128xf32>
    %get3A_4 = arith.constant 1 : index
    %get3A_5 = arith.constant 0 : index
    %get3A_6 = arith.constant 0 : index
    %get3A_7 = vector.load %arg0[%get3A_4, %get3A_5, %get3A_6] : memref<2x1024x128xf32, #tpu.memory_space<vmem>>, vector<1x1024x128xf32>
    %get3A_8 = vector.shape_cast %get3A_7 : vector<1x1024x128xf32> to vector<1024x128xf32>
    %add3A = arith.addf %get3A_3, %get3A_8 : vector<1024x128xf32>
    %get3A_9 = arith.constant 0 : index
    %get3A_10 = arith.constant 0 : index
    %get3A_11 = vector.load %arg1[%get3A_9, %get3A_10] : memref<1024x128xf32, #tpu.memory_space<vmem>>, vector<1024x128xf32>
    %add3A_12 = arith.addf %add3A, %get3A_11 : vector<1024x128xf32>
    %swap3A = arith.constant 0 : index
    %swap3A_13 = arith.constant 0 : index
    %swap3A_14 = vector.load %arg2[%swap3A, %swap3A_13] : memref<1024x128xf32, #tpu.memory_space<vmem>>, vector<1024x128xf32>
    tpu.vector_store %arg2[%swap3A, %swap3A_13], %add3A_12 {strides = array<i32>} : memref<1024x128xf32, #tpu.memory_space<vmem>>, vector<1024x128xf32>,
    return
  }
}

</mosaic_0001>

<sc_bundles>
// kernel: kernel.5.cloned.1.call-start
scs
__scs_entry_jumppad:
0x0: {  	(pc) =	sbr.rel $0x88, $3  }
0x1: {  	(tag) =	ssettag $0x0;
	lr =	simm.s32 $0x1  }
0x2: {  	[smem:$0x3F9F] =	sst lr;
	_ =	strace $0xD0000000  }
0x3: {  	_ = 	snop  }
0x4: {  	_ = 	snop  }
0x5: {  	_ = 	snop  }
0x6: {  	_ = 	snop  }
0x7: {  	_ = 	snop  }
__scs_overlays_trampoline_lowered:
0x8: {  	[smem:$0x3FAE] =	sst s0  }
0x9: {  	[smem:$0x3FAF] =	sst s1  }
0xa: {  	[smem:$0x3FB0] =	sst s2  }
0xb: {  	[smem:$0x3FB1] =	sst s3  }
0xc: {  	[smem:$0x3FB2] =	sst s4  }
0xd: {  	[smem:$0x3FB3] =	sst s5  }
0xe: {  	[smem:$0x3FB4] =	sst s6  }
0xf: {  	[smem:$0x3FB5] =	sst s7  }
0x10: {  	[smem:$0x3FB6] =	sst s8  }
0x11: {  	[smem:$0x3FB7] =	sst s9;
	s0 =	simm.s32 @!p0 $0x0  }
0x12: {  	s1 =	sld [smem:$0x3F9D];
	s0 =	simm.s32 @p0 $0x1  }
0x13: {  	[smem:$0x3FB8] =	sst s0;
	s0 =	simm.s32 @!p1 $0x0  }
0x14: {  	s2 =	sld [smem:$0x3F9C];
	s0 =	simm.s32 @p1 $0x1  }
0x15: {  	[smem:$0x3FB9] =	sst s0;
	s0 =	simm.s32 @!p2 $0x0  }
0x16: {  	s3 =	sld [smem:$0x3FDB];
	s0 =	simm.s32 @p2 $0x1  }
0x17: {  	s4 =	simm.s32 $0x1BF5;
	[smem:$0x3FBB] =	sst s0  }
0x18: {  	s0 =	sld [smem:$0x3F9E];
	_ =	swait.ge [sflag:s4], $0x0  }
0x19: {  	s7 =	sld [smem:$0x3F9F]  }
0x1a: {  	s8 =	sadd.s32 $0xFFFFE003, lr  }
0x1b: {  	s9 =	sadd.s32 $0xFFFFFEF7, lr;
	s5 =	simm.s32 $0xFFFFFFFF;
	p2 =	slt.u32 s8, $0xFFFFF086  }
0x1c: {  	p1 =	slt.u32 s9, $0xF7A;
	s5 =	simm.s32 @!p2 $0x0  }
0x1d: {  	s5 =	simm.s32 @p1 $0x1;
	p0 =	seq.s32 s7, s2  }
0x1e: {  	s7 =	smul.u32 @!p0 $0xF7A, s2;
	p2 =	seq.s32 @!p0 s5, $0x0  }
0x1f: {  	s9 =	smul.u32 $0xF7A, s1;
	s8 =	simm.s32 @!p0 $0x1BF5;
	p2 =	por !p2, p0  }
0x20: {  	[sflag:s8] =	ssyncset.s32 @!p0 $0xFFFFF086;
	s6 =	sadd.s32 @!p0 s3, s7;
	s7 =	simm.s32 @!p0 $0x108  }
0x21: {  	s3 =	sadd.s32 s3, s9;
	s6 =	sadd.s32 @!p0 $0x88, s6;
	s7 =	simm.s32 @p2 $0x1082  }
0x22: {  	[simem:s7], [sflag:s8] =	dma.local @!p0 [hbm:s6], $0xF7A  }
0x23: {  	s9 =	sor.u32 $0xD0000000, s2;
	s6 =	simm.s32 $0x108;
	_ =	swait.ge @!p0 [sflag:s8], $0x0  }
0x24: {  	s3 =	sadd.s32 $0x88, s3;
	s6 =	simm.s32 @!p1 $0x1082;
	[sflag:s4] =	ssyncset.s32 $0xFFFFF086  }
0x25: {  	[simem:s6], [sflag:s4] =	dma.local [hbm:s3], $0xF7A  }
0x26: {  	[smem:$0x3F9F] =	sst s1;
	(tag) =	ssettag s2;
	_ =	strace s9  }
0x27: {  	s1 =	sld [smem:$0x3FAF]  }
0x28: {  	s2 =	sld [smem:$0x3FB0]  }
0x29: {  	s4 =	sld [smem:$0x3FB2]  }
0x2a: {  	p0 =	seq.s32 s5, $0x0;
	s5 =	sld [smem:$0x3FB3]  }
0x2b: {  	s6 =	sld [smem:$0x3FB4]  }
0x2c: {  	s7 =	sld [smem:$0x3FB5]  }
0x2d: {  	s3 =	simm.s32 $0x108;
	s8 =	sld [smem:$0x3FB6]  }
0x2e: {  	s3 =	simm.s32 @!p0 $0x1082;
	s9 =	sld [smem:$0x3FB7]  }
0x2f: {  	lr =	sadd.s32 s0, s3;
	s0 =	sld [smem:$0x3FAE]  }
0x30: {  	s3 =	sld [smem:$0x3FB1]  }
0x31: {  	[smem:$0x3FBA] =	sst s10  }
0x32: {  	s10 =	sld [smem:$0x3FB8];
	_ =	sdelay $0x3  }
0x33: {  	p0 =	seq.s32 s10, $0x1;
	s10 =	sld [smem:$0x3FBA];
	_ =	sdelay $0x3  }
0x34: {  	[smem:$0x3FBA] =	sst s10  }
0x35: {  	s10 =	sld [smem:$0x3FB9];
	_ =	sdelay $0x3  }
0x36: {  	p1 =	seq.s32 s10, $0x1;
	s10 =	sld [smem:$0x3FBA];
	_ =	sdelay $0x3  }
0x37: {  	[smem:$0x3FBA] =	sst s10  }
0x38: {  	s10 =	sld [smem:$0x3FBB]  }
0x39: {  	_ = 	snop;
	(pc) =	sbr.ind lr, $3  }
0x3a: {  	_ = 	snop  }
0x3b: {  	_ = 	snop  }
0x3c: {  	p2 =	seq.s32 s10, $0x1;
	s10 =	sld [smem:$0x3FBA]  }
0x3d: {  	_ =	shalt  }
0x3e: {  	_ =	shalt  }
0x3f: {  	_ =	shalt  }
0x40: {  	_ =	shalt  }
0x41: {  	_ =	shalt  }
0x42: {  	_ =	shalt  }
0x43: {  	_ =	shalt  }
0x44: {  	_ =	shalt  }
0x45: {  	_ =	shalt  }
0x46: {  	_ =	shalt  }
0x47: {  	_ =	shalt  }
0x48: {  	_ =	shalt  }
0x49: {  	_ =	shalt  }
0x4a: {  	_ =	shalt  }
0x4b: {  	_ =	shalt  }
0x4c: {  	_ =	shalt  }
0x4d: {  	_ =	shalt  }
0x4e: {  	_ =	shalt  }
0x4f: {  	_ =	shalt  }
0x50: {  	_ =	shalt  }
0x51: {  	_ =	shalt  }
0x52: {  	_ =	shalt  }
0x53: {  	_ =	shalt  }
0x54: {  	_ =	shalt  }
0x55: {  	_ =	shalt  }
0x56: {  	_ =	shalt  }
0x57: {  	_ =	shalt  }
0x58: {  	_ =	shalt  }
0x59: {  	_ =	shalt  }
0x5a: {  	_ =	shalt  }
0x5b: {  	_ =	shalt  }
0x5c: {  	_ =	shalt  }
0x5d: {  	_ =	shalt  }
0x5e: {  	_ =	shalt  }
0x5f: {  	_ =	shalt  }
0x60: {  	_ =	shalt  }
0x61: {  	_ =	shalt  }
0x62: {  	_ =	shalt  }
0x63: {  	_ =	shalt  }
0x64: {  	_ =	shalt  }
0x65: {  	_ =	shalt  }
0x66: {  	_ =	shalt  }
0x67: {  	_ =	shalt  }
0x68: {  	_ =	shalt  }
0x69: {  	_ =	shalt  }
0x6a: {  	_ =	shalt  }
0x6b: {  	_ =	shalt  }
0x6c: {  	_ =	shalt  }
0x6d: {  	_ =	shalt  }
0x6e: {  	_ =	shalt  }
0x6f: {  	_ =	shalt  }
0x70: {  	_ =	shalt  }
0x71: {  	_ =	shalt  }
0x72: {  	_ =	shalt  }
0x73: {  	_ =	shalt  }
0x74: {  	_ =	shalt  }
0x75: {  	_ =	shalt  }
0x76: {  	_ =	shalt  }
0x77: {  	_ =	shalt  }
0x78: {  	_ =	shalt  }
0x79: {  	_ =	shalt  }
0x7a: {  	_ =	shalt  }
0x7b: {  	_ =	shalt  }
0x7c: {  	_ =	shalt  }
0x7d: {  	_ =	shalt  }
0x7e: {  	_ =	shalt  }
0x7f: {  	_ =	shalt  }
0x80: {  	_ =	shalt  }
0x81: {  	_ =	shalt  }
0x82: {  	_ =	shalt  }
0x83: {  	_ =	shalt  }
0x84: {  	_ =	shalt  }
0x85: {  	_ =	shalt  }
0x86: {  	_ =	shalt  }
0x87: {  	_ =	shalt  }
.Lfunc_end0:
.L_simem_size_0:
called_computation_lowered:
.L_overlay_start_0:
0x88: {  	s2 =	sld [smem:$0x3FD9]  }
0x89: {  	s3 =	sld [smem:$0x3FFE];
	_ =	sdelay $0x1  }
0x8a: {  	s1 =	srdreg.scid  }
0x8b: {  	s0 =	sand.u32 $0x1, s1  }
0x8c: {  	s17 =	sshll.u32 s0, $0xA;
	s2 =	sadd.s32 s3, s2  }
0x8d: {  	s2 =	sadd.s32 s2, s17  }
0x8e: {  	[smem:$0x3FC6] =	sst s2  }
0x8f: {  	_ = 	snop  }
0x90: {  	s2 =	sld [smem:$0x3FC9];
	(tm) =	ssettm $0x1  }
0x91: {  	s18 =	sld [smem:$0x3FFB];
	_ =	sdelay $0x3  }
0x92: {  	_ =	strace s18  }
0x93: {  	s3 =	sld [smem:$0x3FFC];
	_ =	sdelay $0x3  }
0x94: {  	_ =	strace s3  }
0x95: {  	s3 =	sld [smem:$0x3FFD];
	_ =	sdelay $0x3  }
0x96: {  	_ =	strace s3  }
0x97: {  	_ =	strace $0x8FFFFFFF  }
0x98: {  	s19 =	sld [smem:$0x3FDB];
	_ =	sdelay $0x1  }
0x99: {  	s4 =	simm.s32 $_scs_section_size  }
0x9a: {  	s5 =	simm.s32 $_size__tile_overlayer_lowered;
	s6 =	simm.s32 $_tile_overlayer_lowered  }
0x9b: {  	s22 =	simm.s32 $0x1BFF;
	s21 =	sshll.u32 s6, $0x1;
	s3 =	sadd.s32 s4, s19  }
0x9c: {  	s7 =	simm.s32 $0x0;
	s20 =	sshll.u32 s5, $0x1;
	s5 =	sadd.s32 s21, s3  }
0x9d: {  	[timem:s7], [sflag:s22] =	dma.local [hbm:s5], s20  }
0x9e: {  	_ =	swait.ge [sflag:s22], s20  }
0x9f: {  	s4 =	ssub.s32 $0x0, s20;
	[sflag:s22] =	ssyncset.done $0x0  }
0xa0: {  	[sflag:s22] =	ssyncadd.s32 s4;
	_ =	sdelay $0x1  }
0xa1: {  	s23 =	simm.s32 $0x1B8B  }
0xa2: {  	_ =	swait.ge [sflag:s23], $0x1  }
0xa3: {  	[sflag:s23] =	ssyncset.done $0x0  }
0xa4: {  	s25 =	simm.s32 $0x1B8E;
	s24 =	sld [smem:$0x3FFE];
	[sflag:s23] =	ssyncadd.s32 $0xFFFFFFFF  }
0xa5: {  	s26 =	simm.s32 $execute0_lowered;
	[smem:$0x3FD2] =	sst s25  }
0xa6: {  	s5 =	sshll.u32 s26, $0x1;
	_ =	strace $0x80000046;
	[dreg:$0x1] =	wrdreg $0xFFFFFFFF  }
0xa7: {  	s28 =	simm.s32 $_size_execute0_lowered;
	s3 =	sadd.s32 s3, s5;
	[dreg:$0x0] =	wrdreg $0x0  }
0xa8: {  	s5 =	sshll.u32 s28, $0x1;
	[dreg:$0x2] =	wrdreg s3  }
0xa9: {  	[dreg:$0x3] =	wrdreg s5  }
0xaa: {  	[dreg:$0x4] =	wrdreg $0xC0  }
0xab: {  	_ =	task [dreg:s7], $0x5FFFF  }
0xac: {  	[dreg:$0x1] =	wrdreg $0xFFFFFFFF  }
0xad: {  	[dreg:$0x0] =	wrdreg $0x60  }
0xae: {  	[dreg:$0x2] =	wrdreg s2  }
0xaf: {  	[dreg:$0x3] =	wrdreg s24  }
0xb0: {  	[dreg:$0x4] =	wrdreg $0x170000  }
0xb1: {  	[dreg:$0x5] =	wrdreg $0x9  }
0xb2: {  	_ =	task.clear_ibuf [dreg:s7], $0x6FFFF;
	_ =	strace $0x90000046  }
0xb3: {  	s29 =	simm.s32 $0x9;
	_ =	strace $0x80000048  }
0xb4: {  	_ =	swait.ge [sflag:s29], $0x1  }
0xb5: {  	[sflag:s29] =	ssyncadd.s32 $0xFFFFFFFF  }
0xb6: {  	_ =	strace $0x90000048  }
0xb7: {  	_ =	sfence  }
0xb8: {  	s30 =	sld [smem:$0x0];
	_ =	sdelay $0x2  }
0xb9: {  	s31 =	sshll.u32 s1, $0xD;
	s1 =	sshrl.u32 s1, $0x2  }
0xba: {  	s3 =	sand.u32 $0x4000, s31;
	s1 =	sadd.s32 s1, s30  }
0xbb: {  	s0 =	sor.u32 s3, s0;
	s1 =	sshll.u32 s1, $0x11  }
0xbc: {  	s0 =	sor.u32 s1, s0  }
0xbd: {  	s0 =	sadd.s32 $0x8F2B, s0  }
0xbe: {  	[sflag:s0] =	ssyncadd.remote.s32 $0x1  }
0xbf: {  	_ =	sfence.sel $0xFFFF  }
0xc0: {  	[dreg:$0x0] =	wrdreg $0xFFFFFFFF;
	(pc) =	sbr.abs _section_cstart, $3  }
0xc1: {  	[dreg:$0x1] =	wrdreg $0xFFFFFFFF  }
0xc2: {  	_ =	task.clear_ibuf [dreg:s7], $0x2FFFF;
	_ =	strace $0x9FFFFFFF  }
0xc3: {  	(tm) =	ssettm $0x7FFFFFFF  }
tec
execute0_lowered:
.L_overlay_start_1:
0x0: {  	(tag) =	ssettag $0x1  }
0x1: {  	s1 =	rddreg [dreg:$0x0]  }
0x2: {  	s0 =	srdreg.scid;
	s4 =	rddreg [dreg:$0x1]  }
0x3: {  	s23 =	stileid.u32;
	s2 =	rddreg [dreg:$0x2];
	s16 =	simm.s32 $0xF000  }
0x4: {  	s18 =	simm.s32 $0xB;
	s20 =	simm.s32 $0x1;
	s21 =	simm.s32 $0x78  }
0x5: {  	s22 =	simm.s32 $0x3;
	s28 =	simm.s32 $0x9;
	s29 =	simm.s32 $0xA  }
0x6: {  	s30 =	simm.s32 $0x0;
	s10 =	sand.u32 $0x1, s0;
	s26 =	sshll.u32 s23, $0xD  }
0x7: {  	s31 =	smul.u32 $0x1E780, s23;
	s3 =	sshll.u32 s10, $0x4;
	s24 =	sshll.u32 s10, $0xE  }
0x8: {  	s8 =	ssub.s32 $0x2, s10;
	s14 =	smul.u32 $0x1E7800, s10;
	s5 =	sor.u32 s23, s3  }
0x9: {  	s10 =	sadd.s32 s26, s2;
	s26 =	simm.s32 $0x8;
	s6 =	smul.u32 $0x480, s5  }
0xa: {  	s3 =	simm.s32 $0x0;
	s11 =	sadd.s32 s24, s4;
	s7 =	smul.u32 $0xF3C00, s5  }
0xb: {  	s25 =	sshrl.u32 s8, $0x1;
	[smem:$0x7FF] =	sst s3;
	s5 =	smul.u32 $0x1E780, s5  }
0xc: {  	s13 =	ssub.s32 s8, s25;
	s24 =	sadd.s32 $0x9C00, s11;
	s25 =	sshll.u32 s23, $0xA  }
0xd: {  	s23 =	simm.s32 $0x6;
	_ =	strace $0x80000047;
	s11 =	smax.u32 s13, $0x1  }
.Ltmp0:
0xe: {  	s24 =	sadd.s32 s25, s24;
	s25 =	simm.s32 $0x5;
	(pc) =	sbr.rel .LBB2_1-.Ltmp0, $4  }
0xf: {  	s9 =	sadd.s32 s6, s4;
	s7 =	sshrl.u32 s7, $0x3;
	s4 =	sadd.s32 s1, s5  }
0x10: {  	s12 =	sadd.s32 s1, s7;
	s9 =	sadd.s32 $0xC00, s9;
	s1 =	sadd.s32 s14, s1  }
0x11: {  	s14 =	simm.s32 $0x7800;
	s5 =	sadd.s32 $0x780, s12;
	s6 =	sadd.s32 $0xF00, s12  }
0x12: {  	v0 =	vimm.f32 $0.0e+00;
	s7 =	sadd.s32 $0x1680, s12;
	s8 =	sadd.s32 $0x1E00, s12;
	s12 =	sadd.s32 s31, s1  }
.LBB2_6:
0x13: {  	_ =	swait.ge [sflag:s28], $0x3C00  }
0x14: {  	[sflag:s28] =	ssyncset.done $0x0  }
0x15: {  	[sflag:s28] =	ssyncadd.s32 $0xFFFFC400  }
0x16: {  	s0 =	stileid.u32;
	_ =	swait.ge [sflag:s29], $0x3C00  }
0x17: {  	s1 =	sshrl.u32 s10, $0x3;
	s30 =	sadd.s32 $0x1, s30;
	[sflag:s29] =	ssyncset.done $0x0  }
0x18: {  	s0 =	sshll.u32 s0, $0x6;
	p0 =	sne.s32 s30, s11;
	[sflag:s29] =	ssyncadd.s32 $0xFFFFC400  }
.Ltmp1:
0x19: {  	s0 =	sor.u32 $0x1C0B, s0;
	[bflag:$0x0] =	sbarrier.arrive $0xFFFF;
	(pc) =	sbr.rel @!p0 .LBB2_7-.Ltmp1, $4  }
0x1a: {  	[hbm:s24], [sflag:s0] =	dma.local [spmem:s1], $0x400  }
0x1b: {  	_ =	swait.ge [sflag:s18], $0x400  }
0x1c: {  	[sflag:s18] =	ssyncset.done $0x0  }
0x1d: {  	[sflag:s18] =	ssyncadd.s32 $0xFFFFFC00  }
.LBB2_1:
0x1e: {  	[tilespmem:s3], [sflag:$0x1] =	stream.linear.gather [hbm4b:s4+s3], $0x3C00, $0x38;
	[tilespmem:$0x19000] =	vst v63  }
0x1f: {  	s0 =	simm.s32 $0x3C00  }
0x20: {  	[tilespmem:s0], [sflag:$0x2] =	stream.linear.gather [hbm4b:s5+s3], $0x3C00, $0x38;
	[tilespmem:$0x19000] =	vst v63  }
0x21: {  	_ = 	snop  }
0x22: {  	[tilespmem:s14], [sflag:$0x3] =	stream.linear.gather [hbm4b:s6+s3], $0x3C00, $0x38;
	[tilespmem:$0x19000] =	vst v63  }
0x23: {  	s17 =	simm.s32 $0xB400  }
0x24: {  	[tilespmem:s17], [sflag:$0x4] =	stream.linear.gather [hbm4b:s7+s3], $0x3C00, $0x38;
	[tilespmem:$0x19000] =	vst v63  }
0x25: {  	_ = 	snop  }
0x26: {  	[tilespmem:s16], [sflag:$0x5] =	stream.linear.gather [hbm4b:s8+s3], $0x3C00, $0x38;
	[tilespmem:$0x19000] =	vst v63  }
0x27: {  	s19 =	simm.s32 $0x12C00  }
0x28: {  	[tilespmem:s19], [sflag:$0xB] =	stream.linear.gather [hbm4b:s9+s3], $0x2080, $0x38;
	[tilespmem:$0x19000] =	vst v63  }
0x29: {  	_ =	swait.ge [sflag:s18], $0x2080  }
0x2a: {  	[sflag:s18] =	ssyncset.done $0x0  }
0x2b: {  	s1 =	simm.s32 $0x0;
	s31 =	simm.s32 $0x200;
	[sflag:s18] =	ssyncadd.s32 $0xFFFFDF80  }
.LBB2_2:
0x2c: {  	p0 =	sne.s32 s31, $0x7E00;
	[tilespmem:s1+$0x15070] =	vst v0  }
0x2d: {  	[tilespmem:s1+$0x15000] =	vst v0  }
0x2e: {  	[tilespmem:s1+$0x15010] =	vst v0  }
.Ltmp2:
0x2f: {  	[tilespmem:s1+$0x15020] =	vst v0;
	(pc) =	sbr.rel @p0 .LBB2_2-.Ltmp2, $4  }
0x30: {  	[tilespmem:s1+$0x15030] =	vst v0  }
0x31: {  	[tilespmem:s1+$0x15040] =	vst v0  }
0x32: {  	[tilespmem:s1+$0x15050] =	vst v0  }
0x33: {  	[tilespmem:s1+$0x15060] =	vst v0;
	s1 =	sshra.s32 s31, $0x2;
	s31 =	sadd.s32 $0x200, s31  }
0x34: {  	[tilespmem:s1+$0x15070] =	vst v0  }
0x35: {  	[tilespmem:s1+$0x15000] =	vst v0  }
0x36: {  	[tilespmem:s1+$0x15010] =	vst v0  }
0x37: {  	[tilespmem:s1+$0x15020] =	vst v0  }
0x38: {  	[tilespmem:s1+$0x15030] =	vst v0  }
0x39: {  	[tilespmem:s1+$0x15040] =	vst v0  }
0x3a: {  	[tilespmem:s1+$0x15050] =	vst v0  }
0x3b: {  	[tilespmem:s1+$0x15060] =	vst v0;
	s0 =	simm.s32 $0x15000  }
0x3c: {  	[spmem:s10] =	stream.linear.scatter [tilespmem:s0], [sflag:$0xB], $0x2000, $0x38;
	[tilespmem:$0x19000] =	vst v63  }
0x3d: {  	_ =	swait.ge [sflag:s18], $0x2000  }
0x3e: {  	[sflag:s18] =	ssyncset.done $0x0  }
0x3f: {  	[sflag:s18] =	ssyncadd.s32 $0xFFFFE000  }
0x40: {  	s31 =	simm.s32 $0x0;
	s1 =	simm.s32 $0x12C00;
	[bflag:$0x0] =	sbarrier.arrive $0xFFFF  }
.LBB2_4:
0x41: {  	_ =	swait.ge [sflag:s20], $0x3C00  }
0x42: {  	p0 =	seq.s32 s31, $0x0;
	[sflag:s20] =	ssyncset.done $0x0  }
0x43: {  	s0 =	simm.s32 @p0 $0x2;
	[sflag:s20] =	ssyncadd.s32 $0xFFFFC400  }
0x44: {  	[spmem:s2] =	stream.indirect.scatter.add.f32 [tilespmem:s3], [sflag:$0x6], $0x80, s1, s21, $0xb8;
	[tilespmem:$0x19000] =	vst v63  }
0x45: {  	_ =	swait.ge @p0 [sflag:s0], $0x3C00  }
0x46: {  	s13 =	simm.s32 @p0 $0x78;
	[sflag:s0] =	ssyncset.done @p0 $0x0  }
0x47: {  	s15 =	simm.s32 @p0 $0x3C00;
	[sflag:s0] =	ssyncadd.s32 @p0 $0xFFFFC400;
	s0 =	sadd.s32 @p0 $0x80, s1  }
0x48: {  	[spmem:s2] =	stream.indirect.scatter.add.f32 @p0 [tilespmem:s15], [sflag:$0x7], $0x80, s0, s13, $0xb8;
	[tilespmem:$0x19000] =	vst v63  }
0x49: {  	s0 =	simm.s32 @!p0 $0x9  }
0x4a: {  	_ =	swait.ge @!p0 [sflag:s0], $0x3C00  }
0x4b: {  	[sflag:s0] =	ssyncset.done @!p0 $0x0  }
0x4c: {  	[sflag:s0] =	ssyncadd.s32 @!p0 $0xFFFFC400;
	s0 =	sadd.s32 @!p0 s31, s12  }
0x4d: {  	s17 =	simm.s32 @!p0 $0xB400;
	s15 =	simm.s32 @!p0 $0x0;
	s13 =	sadd.s32 @!p0 $0x1680, s0  }
0x4e: {  	[tilespmem:s17], [sflag:$0x4] =	stream.linear.gather @!p0 [hbm4b:s13+s15], $0x3C00, $0x38;
	[tilespmem:$0x19000] =	vst v63  }
0x4f: {  	s13 =	simm.s32 @!p0 $0x2  }
0x50: {  	_ =	swait.ge @!p0 [sflag:s13], $0x3C00  }
0x51: {  	s19 =	simm.s32 @!p0 $0x3C00;
	[sflag:s13] =	ssyncset.done @!p0 $0x0  }
0x52: {  	s17 =	simm.s32 @!p0 $0x78;
	[sflag:s13] =	ssyncadd.s32 @!p0 $0xFFFFC400;
	s13 =	sadd.s32 @!p0 $0x80, s1  }
0x53: {  	[spmem:s2] =	stream.indirect.scatter.add.f32 @!p0 [tilespmem:s19], [sflag:$0x7], $0x80, s13, s17, $0xb8;
	[tilespmem:$0x19000] =	vst v63  }
0x54: {  	s13 =	simm.s32 @!p0 $0xA  }
0x55: {  	_ =	swait.ge @!p0 [sflag:s13], $0x3C00  }
0x56: {  	[sflag:s13] =	ssyncset.done @!p0 $0x0  }
0x57: {  	s0 =	sadd.s32 @!p0 $0x1E00, s0;
	[sflag:s13] =	ssyncadd.s32 @!p0 $0xFFFFC400;
	s13 =	simm.s32 @!p0 $0xF000  }
0x58: {  	[tilespmem:s13], [sflag:$0x5] =	stream.linear.gather @!p0 [hbm4b:s0+s15], $0x3C00, $0x38;
	[tilespmem:$0x19000] =	vst v63  }
0x59: {  	_ =	swait.ge [sflag:s22], $0x3C00  }
0x5a: {  	[sflag:s22] =	ssyncset.done $0x0  }
0x5b: {  	s17 =	sadd.s32 $0x100, s1;
	[sflag:s22] =	ssyncadd.s32 $0xFFFFC400  }
0x5c: {  	[spmem:s2] =	stream.indirect.scatter.add.f32 [tilespmem:s14], [sflag:$0x8], $0x80, s17, s21, $0xb8;
	[tilespmem:$0x19000] =	vst v63  }
0x5d: {  	_ =	swait.ge [sflag:s23], $0x3C00  }
0x5e: {  	p0 =	seq.s32 s31, $0x1C200;
	[sflag:s23] =	ssyncset.done $0x0  }
0x5f: {  	s0 =	simm.s32 @p0 $0x4;
	[sflag:s23] =	ssyncadd.s32 $0xFFFFC400  }
0x60: {  	_ =	swait.ge @p0 [sflag:s0], $0x3C00  }
0x61: {  	s13 =	simm.s32 @p0 $0x78;
	[sflag:s0] =	ssyncset.done @p0 $0x0  }
0x62: {  	s15 =	simm.s32 @p0 $0xB400;
	[sflag:s0] =	ssyncadd.s32 @p0 $0xFFFFC400;
	s0 =	sadd.s32 @p0 $0x180, s1  }
0x63: {  	[spmem:s2] =	stream.indirect.scatter.add.f32 @p0 [tilespmem:s15], [sflag:$0x9], $0x80, s0, s13, $0xb8;
	[tilespmem:$0x19000] =	vst v63  }
0x64: {  	s0 =	simm.s32 @p0 $0x7  }
0x65: {  	_ =	swait.ge @p0 [sflag:s0], $0x3C00  }
0x66: {  	s13 =	sadd.s32 @!p0 s31, s12;
	[sflag:s0] =	ssyncset.done @p0 $0x0  }
0x67: {  	s15 =	simm.s32 @!p0 $0x0;
	[sflag:s0] =	ssyncadd.s32 @p0 $0xFFFFC400;
	s0 =	sadd.s32 @!p0 $0x2580, s13  }
0x68: {  	[tilespmem:s15], [sflag:$0x1] =	stream.linear.gather @!p0 [hbm4b:s0+s15], $0x3C00, $0x38;
	[tilespmem:$0x19000] =	vst v63  }
0x69: {  	s0 =	simm.s32 @!p0 $0x4  }
0x6a: {  	_ =	swait.ge @!p0 [sflag:s0], $0x3C00  }
0x6b: {  	s19 =	simm.s32 @!p0 $0xB400;
	[sflag:s0] =	ssyncset.done @!p0 $0x0  }
0x6c: {  	s17 =	simm.s32 @!p0 $0x78;
	[sflag:s0] =	ssyncadd.s32 @!p0 $0xFFFFC400;
	s0 =	sadd.s32 @!p0 $0x180, s1  }
0x6d: {  	[spmem:s2] =	stream.indirect.scatter.add.f32 @!p0 [tilespmem:s19], [sflag:$0x9], $0x80, s0, s17, $0xb8;
	[tilespmem:$0x19000] =	vst v63  }
0x6e: {  	s0 =	simm.s32 @!p0 $0x7  }
0x6f: {  	_ =	swait.ge @!p0 [sflag:s0], $0x3C00  }
0x70: {  	[sflag:s0] =	ssyncset.done @!p0 $0x0  }
0x71: {  	[sflag:s0] =	ssyncadd.s32 @!p0 $0xFFFFC400;
	s0 =	sadd.s32 @!p0 $0x2D00, s13;
	s13 =	simm.s32 @!p0 $0x3C00  }
0x72: {  	[tilespmem:s13], [sflag:$0x2] =	stream.linear.gather @!p0 [hbm4b:s0+s15], $0x3C00, $0x38;
	[tilespmem:$0x19000] =	vst v63  }
0x73: {  	_ =	swait.ge [sflag:s25], $0x3C00  }
0x74: {  	[sflag:s25] =	ssyncset.done $0x0  }
.Ltmp3:
0x75: {  	s19 =	sadd.s32 $0x200, s1;
	[sflag:s25] =	ssyncadd.s32 $0xFFFFC400;
	(pc) =	sbr.rel @p0 .LBB2_6-.Ltmp3, $4  }
0x76: {  	[spmem:s2] =	stream.indirect.scatter.add.f32 [tilespmem:s16], [sflag:$0xA], $0x80, s19, s21, $0xb8;
	[tilespmem:$0x19000] =	vst v63  }
0x77: {  	_ =	swait.ge [sflag:s26], $0x3C00  }
0x78: {  	[sflag:s26] =	ssyncset.done $0x0  }
0x79: {  	[sflag:s26] =	ssyncadd.s32 $0xFFFFC400  }
.Ltmp4:
0x7a: {  	(pc) =	sbr.rel .LBB2_4-.Ltmp4, $4  }
0x7b: {  	_ = 	snop  }
0x7c: {  	s0 =	sadd.s32 s31, s12  }
0x7d: {  	s31 =	sadd.s32 $0x2580, s31;
	s1 =	sadd.s32 $0x280, s1;
	s0 =	sadd.s32 $0x3480, s0  }
0x7e: {  	[tilespmem:s14], [sflag:$0x3] =	stream.linear.gather [hbm4b:s0+s3], $0x3C00, $0x38;
	[tilespmem:$0x19000] =	vst v63  }
.LBB2_7:
0x7f: {  	_ =	sfence.sel $0x180000  }
0x80: {  	[bflag:$0x0] =	sbarrier.arrive $0xFFFF  }
0x81: {  	_ =	strace $0x90000047  }
0x82: {  	s0 =	stileid.u32;
	[bflag:$0x2] =	sbarrier.arrive $0xFFFF  }
0x83: {  	p0 =	sne.s32 s0, $0x0;
	s0 =	rddreg [dreg:$0x3]  }
0x84: {  	s0 =	sadd.s32 @!p0 $0x100000, s0  }
0x85: {  	[sflag:s0] =	ssyncadd.tile.s32 @!p0 $0x1;
	_ =	shalt  }
.Lfunc_end2:
_tile_overlayer_lowered:
.L_overlay_start_2:
0x86: {  	(tag) =	ssettag $0x2  }
0x87: {  	s0 =	rddreg [dreg:$0x0];
	s2 =	stileid.u32  }
0x88: {  	s1 =	rddreg [dreg:$0x1];
	p0 =	sne.s32 s2, $0x0  }
0x89: {  	s3 =	rddreg [dreg:$0x2];
	[bflag:$0x3] =	sbarrier.arrive $0xFFFF;
	s2 =	simm.s32 @!p0 $0x1C0B  }
0x8a: {  	[timem:s3], [sflag:s2] =	dma.local @!p0 [hbm:s0], s1  }
0x8b: {  	s0 =	simm.s32 @!p0 $0xB  }
0x8c: {  	_ =	swait.ge @!p0 [sflag:s0], s1  }
0x8d: {  	s1 =	ssub.s32 @!p0 $0x0, s1;
	[sflag:s0] =	ssyncset.done @!p0 $0x0  }
0x8e: {  	[sflag:s0] =	ssyncadd.s32 @!p0 s1  }
0x8f: {  	[bflag:$0x3] =	sbarrier.arrive $0xFFFF  }
0x90: {  	_ =	shalt  }

</sc_bundles>
